<compile_context>
chip_gen: v7x
topology: tpu7x:2x2x1
jax: 0.10.2.dev20260603
libtpu: 0.0.44.dev20260713+nightly
codegen_flags: <defaults>
</compile_context>

<pallas_src>
import jax
import jax.numpy as jnp
from jax import lax
from jax.experimental import pallas as pl
from jax.experimental.pallas import tpu as pltpu
from jax.experimental.pallas import tpu_sc as plsc

_N = 100000
_V = 120
_D = 256
_NW = 32
_CH = 96
_NB = 3
_NCH = 33
_BPW = _CH * _NCH
_G = _CH // 16


def _embed_body(idx_hbm, table_hbm, out_hbm, idx_v, table_v, buf0, buf1,
                buf2, wsem0, wsem1, wsem2):
    bufs = (buf0, buf1, buf2)
    wsems = (wsem0, wsem1, wsem2)
    wid = lax.axis_index("s") * 2 + lax.axis_index("c")
    base = jnp.minimum(wid * _BPW, _N - _BPW)

    pltpu.sync_copy(table_hbm, table_v)
    pltpu.sync_copy(idx_hbm.at[pl.ds(base, _BPW)], idx_v)

    lanes16 = lax.iota(jnp.int32, 16)
    drows = [lanes16 + g * 16 for g in range(_G)]

    def assemble(c, b):
        srcs = [
            (idx_v[pl.ds(c * _CH + g * 16, 16)] - 1) * _D for g in range(_G)
        ]

        @plsc.parallel_loop(0, _D, unroll=4)
        def jbody(j):
            col = (j + lanes16) & (_D - 1)
            for g in range(_G):
                v = plsc.load_gather(table_v, [srcs[g] + col])
                plsc.store_scatter(bufs[b], [drows[g], col], v)

    def start_write(c, b):
        pltpu.make_async_copy(
            bufs[b], out_hbm.at[pl.ds(base + c * _CH, _CH)], wsems[b]
        ).start()

    def wait_write(b):
        pltpu.make_async_copy(
            bufs[b], out_hbm.at[pl.ds(base, _CH)], wsems[b]
        ).wait()

    for b in range(_NB):
        assemble(b, b)
        start_write(b, b)

    def body(c2, carry):
        for b in range(_NB):
            c = c2 * _NB + b
            wait_write(b)
            assemble(c, b)
            start_write(c, b)
        return carry

    lax.fori_loop(1, _NCH // _NB, body, 0)

    for b in range(_NB):
        wait_write(b)


@jax.jit
def _embed_lookup(idx, table_flat):
    mesh = plsc.VectorSubcoreMesh(core_axis_name="c", subcore_axis_name="s")
    fn = pl.kernel(
        _embed_body,
        mesh=mesh,
        compiler_params=pltpu.CompilerParams(needs_layout_passes=False),
        out_type=jax.ShapeDtypeStruct((_N, _D), jnp.float32),
        scratch_types=(
            [pltpu.VMEM((_BPW,), jnp.int32),
             pltpu.VMEM((_V * _D,), jnp.float32)]
            + [pltpu.VMEM((_CH, _D), jnp.float32) for _ in range(_NB)]
            + [pltpu.SemaphoreType.DMA for _ in range(_NB)]
        ),
    )
    return fn(idx, table_flat)


def kernel(atomic_numbers, atom_embedding_weight):
    return _embed_lookup(atomic_numbers, atom_embedding_weight.reshape(-1))

# --- scband reference (transcript-rebuilt; emitter-appended) ---
"""Pipeline reference for scband-embedding-86337432584825 (READ-ONLY COPY).

The authoritative reference and input builder live on the scoring server;
editing this copy changes nothing except your own understanding.
"""

import jax, jax.numpy as jnp
import numpy as np

NUM_ELEMENTS = 120
EMBED_DIM = 256
N_ATOMS = 100000

def setup_inputs(seed: int = 0) -> dict:
    key = jax.random.key(seed)
    k1, k2 = jax.random.split(key)
    # atomic numbers are 1-indexed (forward subtracts 1), so sample in [1, NUM_ELEMENTS]
    atomic_numbers = jax.random.randint(k1, (N_ATOMS,), 1, NUM_ELEMENTS + 1, dtype=jnp.int32)
    # learned embedding table (nn.Embedding weight), default normal init
    atom_embedding_weight = jax.random.normal(k2, (NUM_ELEMENTS, EMBED_DIM), dtype=jnp.float32)
    return {"atomic_numbers": atomic_numbers, "atom_embedding_weight": atom_embedding_weight}

def reference(atomic_numbers, atom_embedding_weight):
    # Embedding.forward: x = atom_embedding(atomic_numbers - 1)
    idx = atomic_numbers - 1
    x = jnp.take(atom_embedding_weight, idx, axis=0)
    return x

if __name__ == "__main__":
    import jax
    _d = setup_inputs()
    print(jax.jit(kernel)(*tuple(_d.values())))

</pallas_src>

<mosaic_0001>
#map = affine_map<(d0, d1) -> (0)>
#map1 = affine_map<(d0, d1) -> (0, 0)>
module attributes {stable_mosaic.version = 14 : i64} {
  func.func @_embed_body(%arg0: i32, %arg1: i32, %arg2: memref<100000xi32, #tpu.memory_space<hbm>>, %arg3: memref<30720xf32, #tpu.memory_space<hbm>>, %arg4: memref<100000x256xf32, #tpu.memory_space<hbm>>, %arg5: memref<3168xi32, #tpu.memory_space<vmem>>, %arg6: memref<30720xf32, #tpu.memory_space<vmem>>, %arg7: memref<96x256xf32, #tpu.memory_space<vmem>>, %arg8: memref<96x256xf32, #tpu.memory_space<vmem>>, %arg9: memref<96x256xf32, #tpu.memory_space<vmem>>, %arg10: memref<!tpu.dma_semaphore, #tpu.memory_space<semaphore_mem>>, %arg11: memref<!tpu.dma_semaphore, #tpu.memory_space<semaphore_mem>>, %arg12: memref<!tpu.dma_semaphore, #tpu.memory_space<semaphore_mem>>) attributes {dimension_semantics = [#tpu.dimension_semantics<core_parallel>, #tpu.dimension_semantics<subcore_parallel>], iteration_bounds = array<i64: 2, 16>, scalar_prefetch = 0 : i64, scratch_operands = 8 : i64, tpu.core_type = #tpu.core_type<sc_vector_subcore>, window_params = [{transform_indices = #map}, {transform_indices = #map}, {transform_indices = #map1}]} {
    %mul3A = arith.constant 2 : i32
    %mul3A_0 = arith.muli %arg1, %mul3A : i32
    %add3A = arith.addi %mul3A_0, %arg0 : i32
    %mul3A_1 = arith.constant 3168 : i32
    %mul3A_2 = arith.muli %add3A, %mul3A_1 : i32
    %min3A = arith.constant 96832 : i32
    %min3A_3 = arith.minsi %mul3A_2, %min3A : i32
    "tpu.region"() ({
      %run_scoped3A = tpu.sem_alloc : memref<!tpu.dma_semaphore, #tpu.memory_space<semaphore_mem>>
      tpu.enqueue_dma source(%arg3 : memref<30720xf32, #tpu.memory_space<hbm>>) target(%arg6 : memref<30720xf32, #tpu.memory_space<vmem>>) target_semaphore(%run_scoped3A : memref<!tpu.dma_semaphore, #tpu.memory_space<semaphore_mem>>)
      tpu.wait_dma2 semaphore(%run_scoped3A : memref<!tpu.dma_semaphore, #tpu.memory_space<semaphore_mem>>) src(%arg3 : memref<30720xf32, #tpu.memory_space<hbm>>) dst(%arg6 : memref<30720xf32, #tpu.memory_space<vmem>>)
      tpu.yield
    }) : () -> ()
    "tpu.region"() ({
      %run_scoped3A = tpu.sem_alloc : memref<!tpu.dma_semaphore, #tpu.memory_space<semaphore_mem>>
      %dma_start3A_205 = tpu.memref_slice %arg2[%min3A_3] : memref<100000xi32, #tpu.memory_space<hbm>> -> memref<3168xi32, #tpu.memory_space<hbm>>
      %dma_start3A_206 = tpu.memref_slice %arg2[%min3A_3] : memref<100000xi32, #tpu.memory_space<hbm>> -> memref<3168xi32, #tpu.memory_space<hbm>>
      tpu.enqueue_dma source(%dma_start3A_206 : memref<3168xi32, #tpu.memory_space<hbm>>) target(%arg5 : memref<3168xi32, #tpu.memory_space<vmem>>) target_semaphore(%run_scoped3A : memref<!tpu.dma_semaphore, #tpu.memory_space<semaphore_mem>>)
      %dma_wait3A_207 = tpu.memref_slice %arg2[%min3A_3] : memref<100000xi32, #tpu.memory_space<hbm>> -> memref<3168xi32, #tpu.memory_space<hbm>>
      %dma_wait3A_208 = tpu.memref_slice %arg2[%min3A_3] : memref<100000xi32, #tpu.memory_space<hbm>> -> memref<3168xi32, #tpu.memory_space<hbm>>
      tpu.wait_dma2 semaphore(%run_scoped3A : memref<!tpu.dma_semaphore, #tpu.memory_space<semaphore_mem>>) src(%dma_wait3A_208 : memref<3168xi32, #tpu.memory_space<hbm>>) dst(%arg5 : memref<3168xi32, #tpu.memory_space<vmem>>)
      tpu.yield
    }) : () -> ()
    %iota3A = tpu.iota {dimensions = array<i32: 0>} : vector<16xi32>
    %add3A_4 = arith.constant 0 : i32
    %add3A_5 = vector.broadcast %add3A_4 : i32 to vector<16xi32>
    %add3A_6 = arith.addi %iota3A, %add3A_5 : vector<16xi32>
    %add3A_7 = arith.constant 16 : i32
    %add3A_8 = vector.broadcast %add3A_7 : i32 to vector<16xi32>
    %add3A_9 = arith.addi %iota3A, %add3A_8 : vector<16xi32>
    %add3A_10 = arith.constant 32 : i32
    %add3A_11 = vector.broadcast %add3A_10 : i32 to vector<16xi32>
    %add3A_12 = arith.addi %iota3A, %add3A_11 : vector<16xi32>
    %add3A_13 = arith.constant 48 : i32
    %add3A_14 = vector.broadcast %add3A_13 : i32 to vector<16xi32>
    %add3A_15 = arith.addi %iota3A, %add3A_14 : vector<16xi32>
    %add3A_16 = arith.constant 64 : i32
    %add3A_17 = vector.broadcast %add3A_16 : i32 to vector<16xi32>
    %add3A_18 = arith.addi %iota3A, %add3A_17 : vector<16xi32>
    %add3A_19 = arith.constant 80 : i32
    %add3A_20 = vector.broadcast %add3A_19 : i32 to vector<16xi32>
    %add3A_21 = arith.addi %iota3A, %add3A_20 : vector<16xi32>
    %get3A = arith.constant 0 : index
    %get3A_22 = tpu.vector_load %arg5[%get3A] {strides = array<i32>} : memref<3168xi32, #tpu.memory_space<vmem>>, vector<16xi32>,
    %sub3A = arith.constant 1 : i32
    %sub3A_23 = vector.broadcast %sub3A : i32 to vector<16xi32>
    %sub3A_24 = arith.subi %get3A_22, %sub3A_23 : vector<16xi32>
    %mul3A_25 = arith.constant 256 : i32
    %mul3A_26 = vector.broadcast %mul3A_25 : i32 to vector<16xi32>
    %mul3A_27 = arith.muli %sub3A_24, %mul3A_26 : vector<16xi32>
    %get3A_28 = arith.constant 16 : index
    %get3A_29 = tpu.vector_load %arg5[%get3A_28] {strides = array<i32>} : memref<3168xi32, #tpu.memory_space<vmem>>, vector<16xi32>,
    %sub3A_30 = arith.constant 1 : i32
    %sub3A_31 = vector.broadcast %sub3A_30 : i32 to vector<16xi32>
    %sub3A_32 = arith.subi %get3A_29, %sub3A_31 : vector<16xi32>
    %mul3A_33 = arith.constant 256 : i32
    %mul3A_34 = vector.broadcast %mul3A_33 : i32 to vector<16xi32>
    %mul3A_35 = arith.muli %sub3A_32, %mul3A_34 : vector<16xi32>
    %get3A_36 = arith.constant 32 : index
    %get3A_37 = tpu.vector_load %arg5[%get3A_36] {strides = array<i32>} : memref<3168xi32, #tpu.memory_space<vmem>>, vector<16xi32>,
    %sub3A_38 = arith.constant 1 : i32
    %sub3A_39 = vector.broadcast %sub3A_38 : i32 to vector<16xi32>
    %sub3A_40 = arith.subi %get3A_37, %sub3A_39 : vector<16xi32>
    %mul3A_41 = arith.constant 256 : i32
    %mul3A_42 = vector.broadcast %mul3A_41 : i32 to vector<16xi32>
    %mul3A_43 = arith.muli %sub3A_40, %mul3A_42 : vector<16xi32>
    %get3A_44 = arith.constant 48 : index
    %get3A_45 = tpu.vector_load %arg5[%get3A_44] {strides = array<i32>} : memref<3168xi32, #tpu.memory_space<vmem>>, vector<16xi32>,
    %sub3A_46 = arith.constant 1 : i32
    %sub3A_47 = vector.broadcast %sub3A_46 : i32 to vector<16xi32>
    %sub3A_48 = arith.subi %get3A_45, %sub3A_47 : vector<16xi32>
    %mul3A_49 = arith.constant 256 : i32
    %mul3A_50 = vector.broadcast %mul3A_49 : i32 to vector<16xi32>
    %mul3A_51 = arith.muli %sub3A_48, %mul3A_50 : vector<16xi32>
    %get3A_52 = arith.constant 64 : index
    %get3A_53 = tpu.vector_load %arg5[%get3A_52] {strides = array<i32>} : memref<3168xi32, #tpu.memory_space<vmem>>, vector<16xi32>,
    %sub3A_54 = arith.constant 1 : i32
    %sub3A_55 = vector.broadcast %sub3A_54 : i32 to vector<16xi32>
    %sub3A_56 = arith.subi %get3A_53, %sub3A_55 : vector<16xi32>
    %mul3A_57 = arith.constant 256 : i32
    %mul3A_58 = vector.broadcast %mul3A_57 : i32 to vector<16xi32>
    %mul3A_59 = arith.muli %sub3A_56, %mul3A_58 : vector<16xi32>
    %get3A_60 = arith.constant 80 : index
    %get3A_61 = tpu.vector_load %arg5[%get3A_60] {strides = array<i32>} : memref<3168xi32, #tpu.memory_space<vmem>>, vector<16xi32>,
    %sub3A_62 = arith.constant 1 : i32
    %sub3A_63 = vector.broadcast %sub3A_62 : i32 to vector<16xi32>
    %sub3A_64 = arith.subi %get3A_61, %sub3A_63 : vector<16xi32>
    %mul3A_65 = arith.constant 256 : i32
    %mul3A_66 = vector.broadcast %mul3A_65 : i32 to vector<16xi32>
    %mul3A_67 = arith.muli %sub3A_64, %mul3A_66 : vector<16xi32>
    %parallel_loop3A = arith.constant 0 : i32
    %parallel_loop3A_68 = arith.constant 256 : i32
    %parallel_loop3A_69 = arith.constant 1 : i32
    scf.for %parallel_loop3A_205 = %parallel_loop3A to %parallel_loop3A_68 step %parallel_loop3A_69  : i32 {
      %parallel_loop3A_206 = vector.broadcast %parallel_loop3A_205 : i32 to vector<16xi32>
      %parallel_loop3A_207 = arith.addi %parallel_loop3A_206, %iota3A : vector<16xi32>
      %parallel_loop3A_208 = arith.constant 255 : i32
      %parallel_loop3A_209 = vector.broadcast %parallel_loop3A_208 : i32 to vector<16xi32>
      %parallel_loop3A_210 = arith.andi %parallel_loop3A_207, %parallel_loop3A_209 : vector<16xi32>
      %parallel_loop3A_211 = arith.addi %mul3A_27, %parallel_loop3A_210 : vector<16xi32>
      %parallel_loop3A_212 = tpu.vector_load_idx %arg6[%parallel_loop3A_211] : memref<30720xf32, #tpu.memory_space<vmem>>[vector<16xi32>], vector<16xf32>,
      tpu.vector_store_idx %arg7[%add3A_6, %parallel_loop3A_210], %parallel_loop3A_212 : memref<96x256xf32, #tpu.memory_space<vmem>>[vector<16xi32>, vector<16xi32>], vector<16xf32>,
      %parallel_loop3A_213 = arith.addi %mul3A_35, %parallel_loop3A_210 : vector<16xi32>
      %parallel_loop3A_214 = tpu.vector_load_idx %arg6[%parallel_loop3A_213] : memref<30720xf32, #tpu.memory_space<vmem>>[vector<16xi32>], vector<16xf32>,
      tpu.vector_store_idx %arg7[%add3A_9, %parallel_loop3A_210], %parallel_loop3A_214 : memref<96x256xf32, #tpu.memory_space<vmem>>[vector<16xi32>, vector<16xi32>], vector<16xf32>,
      %parallel_loop3A_215 = arith.addi %mul3A_43, %parallel_loop3A_210 : vector<16xi32>
      %parallel_loop3A_216 = tpu.vector_load_idx %arg6[%parallel_loop3A_215] : memref<30720xf32, #tpu.memory_space<vmem>>[vector<16xi32>], vector<16xf32>,
      tpu.vector_store_idx %arg7[%add3A_12, %parallel_loop3A_210], %parallel_loop3A_216 : memref<96x256xf32, #tpu.memory_space<vmem>>[vector<16xi32>, vector<16xi32>], vector<16xf32>,
      %parallel_loop3A_217 = arith.addi %mul3A_51, %parallel_loop3A_210 : vector<16xi32>
      %parallel_loop3A_218 = tpu.vector_load_idx %arg6[%parallel_loop3A_217] : memref<30720xf32, #tpu.memory_space<vmem>>[vector<16xi32>], vector<16xf32>,
      tpu.vector_store_idx %arg7[%add3A_15, %parallel_loop3A_210], %parallel_loop3A_218 : memref<96x256xf32, #tpu.memory_space<vmem>>[vector<16xi32>, vector<16xi32>], vector<16xf32>,
      %parallel_loop3A_219 = arith.addi %mul3A_59, %parallel_loop3A_210 : vector<16xi32>
      %parallel_loop3A_220 = tpu.vector_load_idx %arg6[%parallel_loop3A_219] : memref<30720xf32, #tpu.memory_space<vmem>>[vector<16xi32>], vector<16xf32>,
      tpu.vector_store_idx %arg7[%add3A_18, %parallel_loop3A_210], %parallel_loop3A_220 : memref<96x256xf32, #tpu.memory_space<vmem>>[vector<16xi32>, vector<16xi32>], vector<16xf32>,
      %parallel_loop3A_221 = arith.addi %mul3A_67, %parallel_loop3A_210 : vector<16xi32>
      %parallel_loop3A_222 = tpu.vector_load_idx %arg6[%parallel_loop3A_221] : memref<30720xf32, #tpu.memory_space<vmem>>[vector<16xi32>], vector<16xf32>,
      tpu.vector_store_idx %arg7[%add3A_21, %parallel_loop3A_210], %parallel_loop3A_222 : memref<96x256xf32, #tpu.memory_space<vmem>>[vector<16xi32>, vector<16xi32>], vector<16xf32>,
    } {sc.loop_unroll_factor = 4 : i64, sc.parallel_access}
    %add3A_70 = arith.constant 0 : i32
    %add3A_71 = arith.addi %min3A_3, %add3A_70 : i32
    %dma_start3A = arith.constant 0 : i32
    %dma_start3A_72 = tpu.memref_slice %arg4[%add3A_71, %dma_start3A] : memref<100000x256xf32, #tpu.memory_space<hbm>> -> memref<96x256xf32, #tpu.memory_space<hbm>>
    %dma_start3A_73 = arith.constant 0 : i32
    %dma_start3A_74 = tpu.memref_slice %arg4[%add3A_71, %dma_start3A_73] : memref<100000x256xf32, #tpu.memory_space<hbm>> -> memref<96x256xf32, #tpu.memory_space<hbm>>
    tpu.enqueue_dma source(%arg7 : memref<96x256xf32, #tpu.memory_space<vmem>>) target(%dma_start3A_74 : memref<96x256xf32, #tpu.memory_space<hbm>>) target_semaphore(%arg10 : memref<!tpu.dma_semaphore, #tpu.memory_space<semaphore_mem>>)
    %get3A_75 = arith.constant 96 : index
    %get3A_76 = tpu.vector_load %arg5[%get3A_75] {strides = array<i32>} : memref<3168xi32, #tpu.memory_space<vmem>>, vector<16xi32>,
    %sub3A_77 = arith.constant 1 : i32
    %sub3A_78 = vector.broadcast %sub3A_77 : i32 to vector<16xi32>
    %sub3A_79 = arith.subi %get3A_76, %sub3A_78 : vector<16xi32>
    %mul3A_80 = arith.constant 256 : i32
    %mul3A_81 = vector.broadcast %mul3A_80 : i32 to vector<16xi32>
    %mul3A_82 = arith.muli %sub3A_79, %mul3A_81 : vector<16xi32>
    %get3A_83 = arith.constant 112 : index
    %get3A_84 = tpu.vector_load %arg5[%get3A_83] {strides = array<i32>} : memref<3168xi32, #tpu.memory_space<vmem>>, vector<16xi32>,
    %sub3A_85 = arith.constant 1 : i32
    %sub3A_86 = vector.broadcast %sub3A_85 : i32 to vector<16xi32>
    %sub3A_87 = arith.subi %get3A_84, %sub3A_86 : vector<16xi32>
    %mul3A_88 = arith.constant 256 : i32
    %mul3A_89 = vector.broadcast %mul3A_88 : i32 to vector<16xi32>
    %mul3A_90 = arith.muli %sub3A_87, %mul3A_89 : vector<16xi32>
    %get3A_91 = arith.constant 128 : index
    %get3A_92 = tpu.vector_load %arg5[%get3A_91] {strides = array<i32>} : memref<3168xi32, #tpu.memory_space<vmem>>, vector<16xi32>,
    %sub3A_93 = arith.constant 1 : i32
    %sub3A_94 = vector.broadcast %sub3A_93 : i32 to vector<16xi32>
    %sub3A_95 = arith.subi %get3A_92, %sub3A_94 : vector<16xi32>
    %mul3A_96 = arith.constant 256 : i32
    %mul3A_97 = vector.broadcast %mul3A_96 : i32 to vector<16xi32>
    %mul3A_98 = arith.muli %sub3A_95, %mul3A_97 : vector<16xi32>
    %get3A_99 = arith.constant 144 : index
    %get3A_100 = tpu.vector_load %arg5[%get3A_99] {strides = array<i32>} : memref<3168xi32, #tpu.memory_space<vmem>>, vector<16xi32>,
    %sub3A_101 = arith.constant 1 : i32
    %sub3A_102 = vector.broadcast %sub3A_101 : i32 to vector<16xi32>
    %sub3A_103 = arith.subi %get3A_100, %sub3A_102 : vector<16xi32>
    %mul3A_104 = arith.constant 256 : i32
    %mul3A_105 = vector.broadcast %mul3A_104 : i32 to vector<16xi32>
    %mul3A_106 = arith.muli %sub3A_103, %mul3A_105 : vector<16xi32>
    %get3A_107 = arith.constant 160 : index
    %get3A_108 = tpu.vector_load %arg5[%get3A_107] {strides = array<i32>} : memref<3168xi32, #tpu.memory_space<vmem>>, vector<16xi32>,
    %sub3A_109 = arith.constant 1 : i32
    %sub3A_110 = vector.broadcast %sub3A_109 : i32 to vector<16xi32>
    %sub3A_111 = arith.subi %get3A_108, %sub3A_110 : vector<16xi32>
    %mul3A_112 = arith.constant 256 : i32
    %mul3A_113 = vector.broadcast %mul3A_112 : i32 to vector<16xi32>
    %mul3A_114 = arith.muli %sub3A_111, %mul3A_113 : vector<16xi32>
    %get3A_115 = arith.constant 176 : index
    %get3A_116 = tpu.vector_load %arg5[%get3A_115] {strides = array<i32>} : memref<3168xi32, #tpu.memory_space<vmem>>, vector<16xi32>,
    %sub3A_117 = arith.constant 1 : i32
    %sub3A_118 = vector.broadcast %sub3A_117 : i32 to vector<16xi32>
    %sub3A_119 = arith.subi %get3A_116, %sub3A_118 : vector<16xi32>
    %mul3A_120 = arith.constant 256 : i32
    %mul3A_121 = vector.broadcast %mul3A_120 : i32 to vector<16xi32>
    %mul3A_122 = arith.muli %sub3A_119, %mul3A_121 : vector<16xi32>
    %parallel_loop3A_123 = arith.constant 0 : i32
    %parallel_loop3A_124 = arith.constant 256 : i32
    %parallel_loop3A_125 = arith.constant 1 : i32
    scf.for %parallel_loop3A_205 = %parallel_loop3A_123 to %parallel_loop3A_124 step %parallel_loop3A_125  : i32 {
      %parallel_loop3A_206 = vector.broadcast %parallel_loop3A_205 : i32 to vector<16xi32>
      %parallel_loop3A_207 = arith.addi %parallel_loop3A_206, %iota3A : vector<16xi32>
      %parallel_loop3A_208 = arith.constant 255 : i32
      %parallel_loop3A_209 = vector.broadcast %parallel_loop3A_208 : i32 to vector<16xi32>
      %parallel_loop3A_210 = arith.andi %parallel_loop3A_207, %parallel_loop3A_209 : vector<16xi32>
      %parallel_loop3A_211 = arith.addi %mul3A_82, %parallel_loop3A_210 : vector<16xi32>
      %parallel_loop3A_212 = tpu.vector_load_idx %arg6[%parallel_loop3A_211] : memref<30720xf32, #tpu.memory_space<vmem>>[vector<16xi32>], vector<16xf32>,
      tpu.vector_store_idx %arg8[%add3A_6, %parallel_loop3A_210], %parallel_loop3A_212 : memref<96x256xf32, #tpu.memory_space<vmem>>[vector<16xi32>, vector<16xi32>], vector<16xf32>,
      %parallel_loop3A_213 = arith.addi %mul3A_90, %parallel_loop3A_210 : vector<16xi32>
      %parallel_loop3A_214 = tpu.vector_load_idx %arg6[%parallel_loop3A_213] : memref<30720xf32, #tpu.memory_space<vmem>>[vector<16xi32>], vector<16xf32>,
      tpu.vector_store_idx %arg8[%add3A_9, %parallel_loop3A_210], %parallel_loop3A_214 : memref<96x256xf32, #tpu.memory_space<vmem>>[vector<16xi32>, vector<16xi32>], vector<16xf32>,
      %parallel_loop3A_215 = arith.addi %mul3A_98, %parallel_loop3A_210 : vector<16xi32>
      %parallel_loop3A_216 = tpu.vector_load_idx %arg6[%parallel_loop3A_215] : memref<30720xf32, #tpu.memory_space<vmem>>[vector<16xi32>], vector<16xf32>,
      tpu.vector_store_idx %arg8[%add3A_12, %parallel_loop3A_210], %parallel_loop3A_216 : memref<96x256xf32, #tpu.memory_space<vmem>>[vector<16xi32>, vector<16xi32>], vector<16xf32>,
      %parallel_loop3A_217 = arith.addi %mul3A_106, %parallel_loop3A_210 : vector<16xi32>
      %parallel_loop3A_218 = tpu.vector_load_idx %arg6[%parallel_loop3A_217] : memref<30720xf32, #tpu.memory_space<vmem>>[vector<16xi32>], vector<16xf32>,
      tpu.vector_store_idx %arg8[%add3A_15, %parallel_loop3A_210], %parallel_loop3A_218 : memref<96x256xf32, #tpu.memory_space<vmem>>[vector<16xi32>, vector<16xi32>], vector<16xf32>,
      %parallel_loop3A_219 = arith.addi %mul3A_114, %parallel_loop3A_210 : vector<16xi32>
      %parallel_loop3A_220 = tpu.vector_load_idx %arg6[%parallel_loop3A_219] : memref<30720xf32, #tpu.memory_space<vmem>>[vector<16xi32>], vector<16xf32>,
      tpu.vector_store_idx %arg8[%add3A_18, %parallel_loop3A_210], %parallel_loop3A_220 : memref<96x256xf32, #tpu.memory_space<vmem>>[vector<16xi32>, vector<16xi32>], vector<16xf32>,
      %parallel_loop3A_221 = arith.addi %mul3A_122, %parallel_loop3A_210 : vector<16xi32>
      %parallel_loop3A_222 = tpu.vector_load_idx %arg6[%parallel_loop3A_221] : memref<30720xf32, #tpu.memory_space<vmem>>[vector<16xi32>], vector<16xf32>,
      tpu.vector_store_idx %arg8[%add3A_21, %parallel_loop3A_210], %parallel_loop3A_222 : memref<96x256xf32, #tpu.memory_space<vmem>>[vector<16xi32>, vector<16xi32>], vector<16xf32>,
    } {sc.loop_unroll_factor = 4 : i64, sc.parallel_access}
    %add3A_126 = arith.constant 96 : i32
    %add3A_127 = arith.addi %min3A_3, %add3A_126 : i32
    %dma_start3A_128 = arith.constant 0 : i32
    %dma_start3A_129 = tpu.memref_slice %arg4[%add3A_127, %dma_start3A_128] : memref<100000x256xf32, #tpu.memory_space<hbm>> -> memref<96x256xf32, #tpu.memory_space<hbm>>
    %dma_start3A_130 = arith.constant 0 : i32
    %dma_start3A_131 = tpu.memref_slice %arg4[%add3A_127, %dma_start3A_130] : memref<100000x256xf32, #tpu.memory_space<hbm>> -> memref<96x256xf32, #tpu.memory_space<hbm>>
    tpu.enqueue_dma source(%arg8 : memref<96x256xf32, #tpu.memory_space<vmem>>) target(%dma_start3A_131 : memref<96x256xf32, #tpu.memory_space<hbm>>) target_semaphore(%arg11 : memref<!tpu.dma_semaphore, #tpu.memory_space<semaphore_mem>>)
    %get3A_132 = arith.constant 192 : index
    %get3A_133 = tpu.vector_load %arg5[%get3A_132] {strides = array<i32>} : memref<3168xi32, #tpu.memory_space<vmem>>, vector<16xi32>,
    %sub3A_134 = arith.constant 1 : i32
    %sub3A_135 = vector.broadcast %sub3A_134 : i32 to vector<16xi32>
    %sub3A_136 = arith.subi %get3A_133, %sub3A_135 : vector<16xi32>
    %mul3A_137 = arith.constant 256 : i32
    %mul3A_138 = vector.broadcast %mul3A_137 : i32 to vector<16xi32>
    %mul3A_139 = arith.muli %sub3A_136, %mul3A_138 : vector<16xi32>
    %get3A_140 = arith.constant 208 : index
    %get3A_141 = tpu.vector_load %arg5[%get3A_140] {strides = array<i32>} : memref<3168xi32, #tpu.memory_space<vmem>>, vector<16xi32>,
    %sub3A_142 = arith.constant 1 : i32
    %sub3A_143 = vector.broadcast %sub3A_142 : i32 to vector<16xi32>
    %sub3A_144 = arith.subi %get3A_141, %sub3A_143 : vector<16xi32>
    %mul3A_145 = arith.constant 256 : i32
    %mul3A_146 = vector.broadcast %mul3A_145 : i32 to vector<16xi32>
    %mul3A_147 = arith.muli %sub3A_144, %mul3A_146 : vector<16xi32>
    %get3A_148 = arith.constant 224 : index
    %get3A_149 = tpu.vector_load %arg5[%get3A_148] {strides = array<i32>} : memref<3168xi32, #tpu.memory_space<vmem>>, vector<16xi32>,
    %sub3A_150 = arith.constant 1 : i32
    %sub3A_151 = vector.broadcast %sub3A_150 : i32 to vector<16xi32>
    %sub3A_152 = arith.subi %get3A_149, %sub3A_151 : vector<16xi32>
    %mul3A_153 = arith.constant 256 : i32
    %mul3A_154 = vector.broadcast %mul3A_153 : i32 to vector<16xi32>
    %mul3A_155 = arith.muli %sub3A_152, %mul3A_154 : vector<16xi32>
    %get3A_156 = arith.constant 240 : index
    %get3A_157 = tpu.vector_load %arg5[%get3A_156] {strides = array<i32>} : memref<3168xi32, #tpu.memory_space<vmem>>, vector<16xi32>,
    %sub3A_158 = arith.constant 1 : i32
    %sub3A_159 = vector.broadcast %sub3A_158 : i32 to vector<16xi32>
    %sub3A_160 = arith.subi %get3A_157, %sub3A_159 : vector<16xi32>
    %mul3A_161 = arith.constant 256 : i32
    %mul3A_162 = vector.broadcast %mul3A_161 : i32 to vector<16xi32>
    %mul3A_163 = arith.muli %sub3A_160, %mul3A_162 : vector<16xi32>
    %get3A_164 = arith.constant 256 : index
    %get3A_165 = tpu.vector_load %arg5[%get3A_164] {strides = array<i32>} : memref<3168xi32, #tpu.memory_space<vmem>>, vector<16xi32>,
    %sub3A_166 = arith.constant 1 : i32
    %sub3A_167 = vector.broadcast %sub3A_166 : i32 to vector<16xi32>
    %sub3A_168 = arith.subi %get3A_165, %sub3A_167 : vector<16xi32>
    %mul3A_169 = arith.constant 256 : i32
    %mul3A_170 = vector.broadcast %mul3A_169 : i32 to vector<16xi32>
    %mul3A_171 = arith.muli %sub3A_168, %mul3A_170 : vector<16xi32>
    %get3A_172 = arith.constant 272 : index
    %get3A_173 = tpu.vector_load %arg5[%get3A_172] {strides = array<i32>} : memref<3168xi32, #tpu.memory_space<vmem>>, vector<16xi32>,
    %sub3A_174 = arith.constant 1 : i32
    %sub3A_175 = vector.broadcast %sub3A_174 : i32 to vector<16xi32>
    %sub3A_176 = arith.subi %get3A_173, %sub3A_175 : vector<16xi32>
    %mul3A_177 = arith.constant 256 : i32
    %mul3A_178 = vector.broadcast %mul3A_177 : i32 to vector<16xi32>
    %mul3A_179 = arith.muli %sub3A_176, %mul3A_178 : vector<16xi32>
    %parallel_loop3A_180 = arith.constant 0 : i32
    %parallel_loop3A_181 = arith.constant 256 : i32
    %parallel_loop3A_182 = arith.constant 1 : i32
    scf.for %parallel_loop3A_205 = %parallel_loop3A_180 to %parallel_loop3A_181 step %parallel_loop3A_182  : i32 {
      %parallel_loop3A_206 = vector.broadcast %parallel_loop3A_205 : i32 to vector<16xi32>
      %parallel_loop3A_207 = arith.addi %parallel_loop3A_206, %iota3A : vector<16xi32>
      %parallel_loop3A_208 = arith.constant 255 : i32
      %parallel_loop3A_209 = vector.broadcast %parallel_loop3A_208 : i32 to vector<16xi32>
      %parallel_loop3A_210 = arith.andi %parallel_loop3A_207, %parallel_loop3A_209 : vector<16xi32>
      %parallel_loop3A_211 = arith.addi %mul3A_139, %parallel_loop3A_210 : vector<16xi32>
      %parallel_loop3A_212 = tpu.vector_load_idx %arg6[%parallel_loop3A_211] : memref<30720xf32, #tpu.memory_space<vmem>>[vector<16xi32>], vector<16xf32>,
      tpu.vector_store_idx %arg9[%add3A_6, %parallel_loop3A_210], %parallel_loop3A_212 : memref<96x256xf32, #tpu.memory_space<vmem>>[vector<16xi32>, vector<16xi32>], vector<16xf32>,
      %parallel_loop3A_213 = arith.addi %mul3A_147, %parallel_loop3A_210 : vector<16xi32>
      %parallel_loop3A_214 = tpu.vector_load_idx %arg6[%parallel_loop3A_213] : memref<30720xf32, #tpu.memory_space<vmem>>[vector<16xi32>], vector<16xf32>,
      tpu.vector_store_idx %arg9[%add3A_9, %parallel_loop3A_210], %parallel_loop3A_214 : memref<96x256xf32, #tpu.memory_space<vmem>>[vector<16xi32>, vector<16xi32>], vector<16xf32>,
      %parallel_loop3A_215 = arith.addi %mul3A_155, %parallel_loop3A_210 : vector<16xi32>
      %parallel_loop3A_216 = tpu.vector_load_idx %arg6[%parallel_loop3A_215] : memref<30720xf32, #tpu.memory_space<vmem>>[vector<16xi32>], vector<16xf32>,
      tpu.vector_store_idx %arg9[%add3A_12, %parallel_loop3A_210], %parallel_loop3A_216 : memref<96x256xf32, #tpu.memory_space<vmem>>[vector<16xi32>, vector<16xi32>], vector<16xf32>,
      %parallel_loop3A_217 = arith.addi %mul3A_163, %parallel_loop3A_210 : vector<16xi32>
      %parallel_loop3A_218 = tpu.vector_load_idx %arg6[%parallel_loop3A_217] : memref<30720xf32, #tpu.memory_space<vmem>>[vector<16xi32>], vector<16xf32>,
      tpu.vector_store_idx %arg9[%add3A_15, %parallel_loop3A_210], %parallel_loop3A_218 : memref<96x256xf32, #tpu.memory_space<vmem>>[vector<16xi32>, vector<16xi32>], vector<16xf32>,
      %parallel_loop3A_219 = arith.addi %mul3A_171, %parallel_loop3A_210 : vector<16xi32>
      %parallel_loop3A_220 = tpu.vector_load_idx %arg6[%parallel_loop3A_219] : memref<30720xf32, #tpu.memory_space<vmem>>[vector<16xi32>], vector<16xf32>,
      tpu.vector_store_idx %arg9[%add3A_18, %parallel_loop3A_210], %parallel_loop3A_220 : memref<96x256xf32, #tpu.memory_space<vmem>>[vector<16xi32>, vector<16xi32>], vector<16xf32>,
      %parallel_loop3A_221 = arith.addi %mul3A_179, %parallel_loop3A_210 : vector<16xi32>
      %parallel_loop3A_222 = tpu.vector_load_idx %arg6[%parallel_loop3A_221] : memref<30720xf32, #tpu.memory_space<vmem>>[vector<16xi32>], vector<16xf32>,
      tpu.vector_store_idx %arg9[%add3A_21, %parallel_loop3A_210], %parallel_loop3A_222 : memref<96x256xf32, #tpu.memory_space<vmem>>[vector<16xi32>, vector<16xi32>], vector<16xf32>,
    } {sc.loop_unroll_factor = 4 : i64, sc.parallel_access}
    %add3A_183 = arith.constant 192 : i32
    %add3A_184 = arith.addi %min3A_3, %add3A_183 : i32
    %dma_start3A_185 = arith.constant 0 : i32
    %dma_start3A_186 = tpu.memref_slice %arg4[%add3A_184, %dma_start3A_185] : memref<100000x256xf32, #tpu.memory_space<hbm>> -> memref<96x256xf32, #tpu.memory_space<hbm>>
    %dma_start3A_187 = arith.constant 0 : i32
    %dma_start3A_188 = tpu.memref_slice %arg4[%add3A_184, %dma_start3A_187] : memref<100000x256xf32, #tpu.memory_space<hbm>> -> memref<96x256xf32, #tpu.memory_space<hbm>>
    tpu.enqueue_dma source(%arg9 : memref<96x256xf32, #tpu.memory_space<vmem>>) target(%dma_start3A_188 : memref<96x256xf32, #tpu.memory_space<hbm>>) target_semaphore(%arg12 : memref<!tpu.dma_semaphore, #tpu.memory_space<semaphore_mem>>)
    %scan3A = arith.constant 0 : i32
    %scan3A_189 = arith.constant 1 : i32
    %scan3A_190 = arith.constant 10 : i32
    %scan3A_191 = arith.addi %scan3A_189, %scan3A_190 : i32
    %scan3A_192 = arith.constant 1 : i32
    scf.for %scan3A_205 = %scan3A_189 to %scan3A_191 step %scan3A_192  : i32 {
      %mul3A_206 = arith.constant 3 : i32
      %mul3A_207 = arith.muli %scan3A_205, %mul3A_206 : i32
      %add3A_208 = arith.constant 0 : i32
      %add3A_209 = arith.addi %mul3A_207, %add3A_208 : i32
      %dma_wait3A_210 = arith.constant 0 : i32
      %dma_wait3A_211 = tpu.memref_slice %arg4[%min3A_3, %dma_wait3A_210] : memref<100000x256xf32, #tpu.memory_space<hbm>> -> memref<96x256xf32, #tpu.memory_space<hbm>>
      %dma_wait3A_212 = arith.constant 0 : i32
      %dma_wait3A_213 = tpu.memref_slice %arg4[%min3A_3, %dma_wait3A_212] : memref<100000x256xf32, #tpu.memory_space<hbm>> -> memref<96x256xf32, #tpu.memory_space<hbm>>
      tpu.wait_dma2 semaphore(%arg10 : memref<!tpu.dma_semaphore, #tpu.memory_space<semaphore_mem>>) src(%arg7 : memref<96x256xf32, #tpu.memory_space<vmem>>) dst(%dma_wait3A_213 : memref<96x256xf32, #tpu.memory_space<hbm>>)
      %mul3A_214 = arith.constant 96 : i32
      %mul3A_215 = arith.muli %add3A_209, %mul3A_214 : i32
      %add3A_216 = arith.constant 0 : i32
      %add3A_217 = arith.addi %mul3A_215, %add3A_216 : i32
      %get3A_218 = arith.index_cast %add3A_217 : i32 to index
      %get3A_219 = tpu.vector_load %arg5[%get3A_218] {strides = array<i32>} : memref<3168xi32, #tpu.memory_space<vmem>>, vector<16xi32>,
      %sub3A_220 = arith.constant 1 : i32
      %sub3A_221 = vector.broadcast %sub3A_220 : i32 to vector<16xi32>
      %sub3A_222 = arith.subi %get3A_219, %sub3A_221 : vector<16xi32>
      %mul3A_223 = arith.constant 256 : i32
      %mul3A_224 = vector.broadcast %mul3A_223 : i32 to vector<16xi32>
      %mul3A_225 = arith.muli %sub3A_222, %mul3A_224 : vector<16xi32>
      %mul3A_226 = arith.constant 96 : i32
      %mul3A_227 = arith.muli %add3A_209, %mul3A_226 : i32
      %add3A_228 = arith.constant 16 : i32
      %add3A_229 = arith.addi %mul3A_227, %add3A_228 : i32
      %get3A_230 = arith.index_cast %add3A_229 : i32 to index
      %get3A_231 = tpu.vector_load %arg5[%get3A_230] {strides = array<i32>} : memref<3168xi32, #tpu.memory_space<vmem>>, vector<16xi32>,
      %sub3A_232 = arith.constant 1 : i32
      %sub3A_233 = vector.broadcast %sub3A_232 : i32 to vector<16xi32>
      %sub3A_234 = arith.subi %get3A_231, %sub3A_233 : vector<16xi32>
      %mul3A_235 = arith.constant 256 : i32
      %mul3A_236 = vector.broadcast %mul3A_235 : i32 to vector<16xi32>
      %mul3A_237 = arith.muli %sub3A_234, %mul3A_236 : vector<16xi32>
      %mul3A_238 = arith.constant 96 : i32
      %mul3A_239 = arith.muli %add3A_209, %mul3A_238 : i32
      %add3A_240 = arith.constant 32 : i32
      %add3A_241 = arith.addi %mul3A_239, %add3A_240 : i32
      %get3A_242 = arith.index_cast %add3A_241 : i32 to index
      %get3A_243 = tpu.vector_load %arg5[%get3A_242] {strides = array<i32>} : memref<3168xi32, #tpu.memory_space<vmem>>, vector<16xi32>,
      %sub3A_244 = arith.constant 1 : i32
      %sub3A_245 = vector.broadcast %sub3A_244 : i32 to vector<16xi32>
      %sub3A_246 = arith.subi %get3A_243, %sub3A_245 : vector<16xi32>
      %mul3A_247 = arith.constant 256 : i32
      %mul3A_248 = vector.broadcast %mul3A_247 : i32 to vector<16xi32>
      %mul3A_249 = arith.muli %sub3A_246, %mul3A_248 : vector<16xi32>
      %mul3A_250 = arith.constant 96 : i32
      %mul3A_251 = arith.muli %add3A_209, %mul3A_250 : i32
      %add3A_252 = arith.constant 48 : i32
      %add3A_253 = arith.addi %mul3A_251, %add3A_252 : i32
      %get3A_254 = arith.index_cast %add3A_253 : i32 to index
      %get3A_255 = tpu.vector_load %arg5[%get3A_254] {strides = array<i32>} : memref<3168xi32, #tpu.memory_space<vmem>>, vector<16xi32>,
      %sub3A_256 = arith.constant 1 : i32
      %sub3A_257 = vector.broadcast %sub3A_256 : i32 to vector<16xi32>
      %sub3A_258 = arith.subi %get3A_255, %sub3A_257 : vector<16xi32>
      %mul3A_259 = arith.constant 256 : i32
      %mul3A_260 = vector.broadcast %mul3A_259 : i32 to vector<16xi32>
      %mul3A_261 = arith.muli %sub3A_258, %mul3A_260 : vector<16xi32>
      %mul3A_262 = arith.constant 96 : i32
      %mul3A_263 = arith.muli %add3A_209, %mul3A_262 : i32
      %add3A_264 = arith.constant 64 : i32
      %add3A_265 = arith.addi %mul3A_263, %add3A_264 : i32
      %get3A_266 = arith.index_cast %add3A_265 : i32 to index
      %get3A_267 = tpu.vector_load %arg5[%get3A_266] {strides = array<i32>} : memref<3168xi32, #tpu.memory_space<vmem>>, vector<16xi32>,
      %sub3A_268 = arith.constant 1 : i32
      %sub3A_269 = vector.broadcast %sub3A_268 : i32 to vector<16xi32>
      %sub3A_270 = arith.subi %get3A_267, %sub3A_269 : vector<16xi32>
      %mul3A_271 = arith.constant 256 : i32
      %mul3A_272 = vector.broadcast %mul3A_271 : i32 to vector<16xi32>
      %mul3A_273 = arith.muli %sub3A_270, %mul3A_272 : vector<16xi32>
      %mul3A_274 = arith.constant 96 : i32
      %mul3A_275 = arith.muli %add3A_209, %mul3A_274 : i32
      %add3A_276 = arith.constant 80 : i32
      %add3A_277 = arith.addi %mul3A_275, %add3A_276 : i32
      %get3A_278 = arith.index_cast %add3A_277 : i32 to index
      %get3A_279 = tpu.vector_load %arg5[%get3A_278] {strides = array<i32>} : memref<3168xi32, #tpu.memory_space<vmem>>, vector<16xi32>,
      %sub3A_280 = arith.constant 1 : i32
      %sub3A_281 = vector.broadcast %sub3A_280 : i32 to vector<16xi32>
      %sub3A_282 = arith.subi %get3A_279, %sub3A_281 : vector<16xi32>
      %mul3A_283 = arith.constant 256 : i32
      %mul3A_284 = vector.broadcast %mul3A_283 : i32 to vector<16xi32>
      %mul3A_285 = arith.muli %sub3A_282, %mul3A_284 : vector<16xi32>
      %parallel_loop3A_286 = arith.constant 0 : i32
      %parallel_loop3A_287 = arith.constant 256 : i32
      %parallel_loop3A_288 = arith.constant 1 : i32
      scf.for %parallel_loop3A_476 = %parallel_loop3A_286 to %parallel_loop3A_287 step %parallel_loop3A_288  : i32 {
        %parallel_loop3A_477 = vector.broadcast %parallel_loop3A_476 : i32 to vector<16xi32>
        %parallel_loop3A_478 = arith.addi %parallel_loop3A_477, %iota3A : vector<16xi32>
        %parallel_loop3A_479 = arith.constant 255 : i32
        %parallel_loop3A_480 = vector.broadcast %parallel_loop3A_479 : i32 to vector<16xi32>
        %parallel_loop3A_481 = arith.andi %parallel_loop3A_478, %parallel_loop3A_480 : vector<16xi32>
        %parallel_loop3A_482 = arith.addi %mul3A_225, %parallel_loop3A_481 : vector<16xi32>
        %parallel_loop3A_483 = tpu.vector_load_idx %arg6[%parallel_loop3A_482] : memref<30720xf32, #tpu.memory_space<vmem>>[vector<16xi32>], vector<16xf32>,
        tpu.vector_store_idx %arg7[%add3A_6, %parallel_loop3A_481], %parallel_loop3A_483 : memref<96x256xf32, #tpu.memory_space<vmem>>[vector<16xi32>, vector<16xi32>], vector<16xf32>,
        %parallel_loop3A_484 = arith.addi %mul3A_237, %parallel_loop3A_481 : vector<16xi32>
        %parallel_loop3A_485 = tpu.vector_load_idx %arg6[%parallel_loop3A_484] : memref<30720xf32, #tpu.memory_space<vmem>>[vector<16xi32>], vector<16xf32>,
        tpu.vector_store_idx %arg7[%add3A_9, %parallel_loop3A_481], %parallel_loop3A_485 : memref<96x256xf32, #tpu.memory_space<vmem>>[vector<16xi32>, vector<16xi32>], vector<16xf32>,
        %parallel_loop3A_486 = arith.addi %mul3A_249, %parallel_loop3A_481 : vector<16xi32>
        %parallel_loop3A_487 = tpu.vector_load_idx %arg6[%parallel_loop3A_486] : memref<30720xf32, #tpu.memory_space<vmem>>[vector<16xi32>], vector<16xf32>,
        tpu.vector_store_idx %arg7[%add3A_12, %parallel_loop3A_481], %parallel_loop3A_487 : memref<96x256xf32, #tpu.memory_space<vmem>>[vector<16xi32>, vector<16xi32>], vector<16xf32>,
        %parallel_loop3A_488 = arith.addi %mul3A_261, %parallel_loop3A_481 : vector<16xi32>
        %parallel_loop3A_489 = tpu.vector_load_idx %arg6[%parallel_loop3A_488] : memref<30720xf32, #tpu.memory_space<vmem>>[vector<16xi32>], vector<16xf32>,
        tpu.vector_store_idx %arg7[%add3A_15, %parallel_loop3A_481], %parallel_loop3A_489 : memref<96x256xf32, #tpu.memory_space<vmem>>[vector<16xi32>, vector<16xi32>], vector<16xf32>,
        %parallel_loop3A_490 = arith.addi %mul3A_273, %parallel_loop3A_481 : vector<16xi32>
        %parallel_loop3A_491 = tpu.vector_load_idx %arg6[%parallel_loop3A_490] : memref<30720xf32, #tpu.memory_space<vmem>>[vector<16xi32>], vector<16xf32>,
        tpu.vector_store_idx %arg7[%add3A_18, %parallel_loop3A_481], %parallel_loop3A_491 : memref<96x256xf32, #tpu.memory_space<vmem>>[vector<16xi32>, vector<16xi32>], vector<16xf32>,
        %parallel_loop3A_492 = arith.addi %mul3A_285, %parallel_loop3A_481 : vector<16xi32>
        %parallel_loop3A_493 = tpu.vector_load_idx %arg6[%parallel_loop3A_492] : memref<30720xf32, #tpu.memory_space<vmem>>[vector<16xi32>], vector<16xf32>,
        tpu.vector_store_idx %arg7[%add3A_21, %parallel_loop3A_481], %parallel_loop3A_493 : memref<96x256xf32, #tpu.memory_space<vmem>>[vector<16xi32>, vector<16xi32>], vector<16xf32>,
      } {sc.loop_unroll_factor = 4 : i64, sc.parallel_access}
      %mul3A_289 = arith.constant 96 : i32
      %mul3A_290 = arith.muli %add3A_209, %mul3A_289 : i32
      %add3A_291 = arith.addi %min3A_3, %mul3A_290 : i32
      %dma_start3A_292 = arith.constant 0 : i32
      %dma_start3A_293 = tpu.memref_slice %arg4[%add3A_291, %dma_start3A_292] : memref<100000x256xf32, #tpu.memory_space<hbm>> -> memref<96x256xf32, #tpu.memory_space<hbm>>
      %dma_start3A_294 = arith.constant 0 : i32
      %dma_start3A_295 = tpu.memref_slice %arg4[%add3A_291, %dma_start3A_294] : memref<100000x256xf32, #tpu.memory_space<hbm>> -> memref<96x256xf32, #tpu.memory_space<hbm>>
      tpu.enqueue_dma source(%arg7 : memref<96x256xf32, #tpu.memory_space<vmem>>) target(%dma_start3A_295 : memref<96x256xf32, #tpu.memory_space<hbm>>) target_semaphore(%arg10 : memref<!tpu.dma_semaphore, #tpu.memory_space<semaphore_mem>>)
      %mul3A_296 = arith.constant 3 : i32
      %mul3A_297 = arith.muli %scan3A_205, %mul3A_296 : i32
      %add3A_298 = arith.constant 1 : i32
      %add3A_299 = arith.addi %mul3A_297, %add3A_298 : i32
      %dma_wait3A_300 = arith.constant 0 : i32
      %dma_wait3A_301 = tpu.memref_slice %arg4[%min3A_3, %dma_wait3A_300] : memref<100000x256xf32, #tpu.memory_space<hbm>> -> memref<96x256xf32, #tpu.memory_space<hbm>>
      %dma_wait3A_302 = arith.constant 0 : i32
      %dma_wait3A_303 = tpu.memref_slice %arg4[%min3A_3, %dma_wait3A_302] : memref<100000x256xf32, #tpu.memory_space<hbm>> -> memref<96x256xf32, #tpu.memory_space<hbm>>
      tpu.wait_dma2 semaphore(%arg11 : memref<!tpu.dma_semaphore, #tpu.memory_space<semaphore_mem>>) src(%arg8 : memref<96x256xf32, #tpu.memory_space<vmem>>) dst(%dma_wait3A_303 : memref<96x256xf32, #tpu.memory_space<hbm>>)
      %mul3A_304 = arith.constant 96 : i32
      %mul3A_305 = arith.muli %add3A_299, %mul3A_304 : i32
      %add3A_306 = arith.constant 0 : i32
      %add3A_307 = arith.addi %mul3A_305, %add3A_306 : i32
      %get3A_308 = arith.index_cast %add3A_307 : i32 to index
      %get3A_309 = tpu.vector_load %arg5[%get3A_308] {strides = array<i32>} : memref<3168xi32, #tpu.memory_space<vmem>>, vector<16xi32>,
      %sub3A_310 = arith.constant 1 : i32
      %sub3A_311 = vector.broadcast %sub3A_310 : i32 to vector<16xi32>
      %sub3A_312 = arith.subi %get3A_309, %sub3A_311 : vector<16xi32>
      %mul3A_313 = arith.constant 256 : i32
      %mul3A_314 = vector.broadcast %mul3A_313 : i32 to vector<16xi32>
      %mul3A_315 = arith.muli %sub3A_312, %mul3A_314 : vector<16xi32>
      %mul3A_316 = arith.constant 96 : i32
      %mul3A_317 = arith.muli %add3A_299, %mul3A_316 : i32
      %add3A_318 = arith.constant 16 : i32
      %add3A_319 = arith.addi %mul3A_317, %add3A_318 : i32
      %get3A_320 = arith.index_cast %add3A_319 : i32 to index
      %get3A_321 = tpu.vector_load %arg5[%get3A_320] {strides = array<i32>} : memref<3168xi32, #tpu.memory_space<vmem>>, vector<16xi32>,
      %sub3A_322 = arith.constant 1 : i32
      %sub3A_323 = vector.broadcast %sub3A_322 : i32 to vector<16xi32>
      %sub3A_324 = arith.subi %get3A_321, %sub3A_323 : vector<16xi32>
      %mul3A_325 = arith.constant 256 : i32
      %mul3A_326 = vector.broadcast %mul3A_325 : i32 to vector<16xi32>
      %mul3A_327 = arith.muli %sub3A_324, %mul3A_326 : vector<16xi32>
      %mul3A_328 = arith.constant 96 : i32
      %mul3A_329 = arith.muli %add3A_299, %mul3A_328 : i32
      %add3A_330 = arith.constant 32 : i32
      %add3A_331 = arith.addi %mul3A_329, %add3A_330 : i32
      %get3A_332 = arith.index_cast %add3A_331 : i32 to index
      %get3A_333 = tpu.vector_load %arg5[%get3A_332] {strides = array<i32>} : memref<3168xi32, #tpu.memory_space<vmem>>, vector<16xi32>,
      %sub3A_334 = arith.constant 1 : i32
      %sub3A_335 = vector.broadcast %sub3A_334 : i32 to vector<16xi32>
      %sub3A_336 = arith.subi %get3A_333, %sub3A_335 : vector<16xi32>
      %mul3A_337 = arith.constant 256 : i32
      %mul3A_338 = vector.broadcast %mul3A_337 : i32 to vector<16xi32>
      %mul3A_339 = arith.muli %sub3A_336, %mul3A_338 : vector<16xi32>
      %mul3A_340 = arith.constant 96 : i32
      %mul3A_341 = arith.muli %add3A_299, %mul3A_340 : i32
      %add3A_342 = arith.constant 48 : i32
      %add3A_343 = arith.addi %mul3A_341, %add3A_342 : i32
      %get3A_344 = arith.index_cast %add3A_343 : i32 to index
      %get3A_345 = tpu.vector_load %arg5[%get3A_344] {strides = array<i32>} : memref<3168xi32, #tpu.memory_space<vmem>>, vector<16xi32>,
      %sub3A_346 = arith.constant 1 : i32
      %sub3A_347 = vector.broadcast %sub3A_346 : i32 to vector<16xi32>
      %sub3A_348 = arith.subi %get3A_345, %sub3A_347 : vector<16xi32>
      %mul3A_349 = arith.constant 256 : i32
      %mul3A_350 = vector.broadcast %mul3A_349 : i32 to vector<16xi32>
      %mul3A_351 = arith.muli %sub3A_348, %mul3A_350 : vector<16xi32>
      %mul3A_352 = arith.constant 96 : i32
      %mul3A_353 = arith.muli %add3A_299, %mul3A_352 : i32
      %add3A_354 = arith.constant 64 : i32
      %add3A_355 = arith.addi %mul3A_353, %add3A_354 : i32
      %get3A_356 = arith.index_cast %add3A_355 : i32 to index
      %get3A_357 = tpu.vector_load %arg5[%get3A_356] {strides = array<i32>} : memref<3168xi32, #tpu.memory_space<vmem>>, vector<16xi32>,
      %sub3A_358 = arith.constant 1 : i32
      %sub3A_359 = vector.broadcast %sub3A_358 : i32 to vector<16xi32>
      %sub3A_360 = arith.subi %get3A_357, %sub3A_359 : vector<16xi32>
      %mul3A_361 = arith.constant 256 : i32
      %mul3A_362 = vector.broadcast %mul3A_361 : i32 to vector<16xi32>
      %mul3A_363 = arith.muli %sub3A_360, %mul3A_362 : vector<16xi32>
      %mul3A_364 = arith.constant 96 : i32
      %mul3A_365 = arith.muli %add3A_299, %mul3A_364 : i32
      %add3A_366 = arith.constant 80 : i32
      %add3A_367 = arith.addi %mul3A_365, %add3A_366 : i32
      %get3A_368 = arith.index_cast %add3A_367 : i32 to index
      %get3A_369 = tpu.vector_load %arg5[%get3A_368] {strides = array<i32>} : memref<3168xi32, #tpu.memory_space<vmem>>, vector<16xi32>,
      %sub3A_370 = arith.constant 1 : i32
      %sub3A_371 = vector.broadcast %sub3A_370 : i32 to vector<16xi32>
      %sub3A_372 = arith.subi %get3A_369, %sub3A_371 : vector<16xi32>
      %mul3A_373 = arith.constant 256 : i32
      %mul3A_374 = vector.broadcast %mul3A_373 : i32 to vector<16xi32>
      %mul3A_375 = arith.muli %sub3A_372, %mul3A_374 : vector<16xi32>
      %parallel_loop3A_376 = arith.constant 0 : i32
      %parallel_loop3A_377 = arith.constant 256 : i32
      %parallel_loop3A_378 = arith.constant 1 : i32
      scf.for %parallel_loop3A_476 = %parallel_loop3A_376 to %parallel_loop3A_377 step %parallel_loop3A_378  : i32 {
        %parallel_loop3A_477 = vector.broadcast %parallel_loop3A_476 : i32 to vector<16xi32>
        %parallel_loop3A_478 = arith.addi %parallel_loop3A_477, %iota3A : vector<16xi32>
        %parallel_loop3A_479 = arith.constant 255 : i32
        %parallel_loop3A_480 = vector.broadcast %parallel_loop3A_479 : i32 to vector<16xi32>
        %parallel_loop3A_481 = arith.andi %parallel_loop3A_478, %parallel_loop3A_480 : vector<16xi32>
        %parallel_loop3A_482 = arith.addi %mul3A_315, %parallel_loop3A_481 : vector<16xi32>
        %parallel_loop3A_483 = tpu.vector_load_idx %arg6[%parallel_loop3A_482] : memref<30720xf32, #tpu.memory_space<vmem>>[vector<16xi32>], vector<16xf32>,
        tpu.vector_store_idx %arg8[%add3A_6, %parallel_loop3A_481], %parallel_loop3A_483 : memref<96x256xf32, #tpu.memory_space<vmem>>[vector<16xi32>, vector<16xi32>], vector<16xf32>,
        %parallel_loop3A_484 = arith.addi %mul3A_327, %parallel_loop3A_481 : vector<16xi32>
        %parallel_loop3A_485 = tpu.vector_load_idx %arg6[%parallel_loop3A_484] : memref<30720xf32, #tpu.memory_space<vmem>>[vector<16xi32>], vector<16xf32>,
        tpu.vector_store_idx %arg8[%add3A_9, %parallel_loop3A_481], %parallel_loop3A_485 : memref<96x256xf32, #tpu.memory_space<vmem>>[vector<16xi32>, vector<16xi32>], vector<16xf32>,
        %parallel_loop3A_486 = arith.addi %mul3A_339, %parallel_loop3A_481 : vector<16xi32>
        %parallel_loop3A_487 = tpu.vector_load_idx %arg6[%parallel_loop3A_486] : memref<30720xf32, #tpu.memory_space<vmem>>[vector<16xi32>], vector<16xf32>,
        tpu.vector_store_idx %arg8[%add3A_12, %parallel_loop3A_481], %parallel_loop3A_487 : memref<96x256xf32, #tpu.memory_space<vmem>>[vector<16xi32>, vector<16xi32>], vector<16xf32>,
        %parallel_loop3A_488 = arith.addi %mul3A_351, %parallel_loop3A_481 : vector<16xi32>
        %parallel_loop3A_489 = tpu.vector_load_idx %arg6[%parallel_loop3A_488] : memref<30720xf32, #tpu.memory_space<vmem>>[vector<16xi32>], vector<16xf32>,
        tpu.vector_store_idx %arg8[%add3A_15, %parallel_loop3A_481], %parallel_loop3A_489 : memref<96x256xf32, #tpu.memory_space<vmem>>[vector<16xi32>, vector<16xi32>], vector<16xf32>,
        %parallel_loop3A_490 = arith.addi %mul3A_363, %parallel_loop3A_481 : vector<16xi32>
        %parallel_loop3A_491 = tpu.vector_load_idx %arg6[%parallel_loop3A_490] : memref<30720xf32, #tpu.memory_space<vmem>>[vector<16xi32>], vector<16xf32>,
        tpu.vector_store_idx %arg8[%add3A_18, %parallel_loop3A_481], %parallel_loop3A_491 : memref<96x256xf32, #tpu.memory_space<vmem>>[vector<16xi32>, vector<16xi32>], vector<16xf32>,
        %parallel_loop3A_492 = arith.addi %mul3A_375, %parallel_loop3A_481 : vector<16xi32>
        %parallel_loop3A_493 = tpu.vector_load_idx %arg6[%parallel_loop3A_492] : memref<30720xf32, #tpu.memory_space<vmem>>[vector<16xi32>], vector<16xf32>,
        tpu.vector_store_idx %arg8[%add3A_21, %parallel_loop3A_481], %parallel_loop3A_493 : memref<96x256xf32, #tpu.memory_space<vmem>>[vector<16xi32>, vector<16xi32>], vector<16xf32>,
      } {sc.loop_unroll_factor = 4 : i64, sc.parallel_access}
      %mul3A_379 = arith.constant 96 : i32
      %mul3A_380 = arith.muli %add3A_299, %mul3A_379 : i32
      %add3A_381 = arith.addi %min3A_3, %mul3A_380 : i32
      %dma_start3A_382 = arith.constant 0 : i32
      %dma_start3A_383 = tpu.memref_slice %arg4[%add3A_381, %dma_start3A_382] : memref<100000x256xf32, #tpu.memory_space<hbm>> -> memref<96x256xf32, #tpu.memory_space<hbm>>
      %dma_start3A_384 = arith.constant 0 : i32
      %dma_start3A_385 = tpu.memref_slice %arg4[%add3A_381, %dma_start3A_384] : memref<100000x256xf32, #tpu.memory_space<hbm>> -> memref<96x256xf32, #tpu.memory_space<hbm>>
      tpu.enqueue_dma source(%arg8 : memref<96x256xf32, #tpu.memory_space<vmem>>) target(%dma_start3A_385 : memref<96x256xf32, #tpu.memory_space<hbm>>) target_semaphore(%arg11 : memref<!tpu.dma_semaphore, #tpu.memory_space<semaphore_mem>>)
      %mul3A_386 = arith.constant 3 : i32
      %mul3A_387 = arith.muli %scan3A_205, %mul3A_386 : i32
      %add3A_388 = arith.constant 2 : i32
      %add3A_389 = arith.addi %mul3A_387, %add3A_388 : i32
      %dma_wait3A_390 = arith.constant 0 : i32
      %dma_wait3A_391 = tpu.memref_slice %arg4[%min3A_3, %dma_wait3A_390] : memref<100000x256xf32, #tpu.memory_space<hbm>> -> memref<96x256xf32, #tpu.memory_space<hbm>>
      %dma_wait3A_392 = arith.constant 0 : i32
      %dma_wait3A_393 = tpu.memref_slice %arg4[%min3A_3, %dma_wait3A_392] : memref<100000x256xf32, #tpu.memory_space<hbm>> -> memref<96x256xf32, #tpu.memory_space<hbm>>
      tpu.wait_dma2 semaphore(%arg12 : memref<!tpu.dma_semaphore, #tpu.memory_space<semaphore_mem>>) src(%arg9 : memref<96x256xf32, #tpu.memory_space<vmem>>) dst(%dma_wait3A_393 : memref<96x256xf32, #tpu.memory_space<hbm>>)
      %mul3A_394 = arith.constant 96 : i32
      %mul3A_395 = arith.muli %add3A_389, %mul3A_394 : i32
      %add3A_396 = arith.constant 0 : i32
      %add3A_397 = arith.addi %mul3A_395, %add3A_396 : i32
      %get3A_398 = arith.index_cast %add3A_397 : i32 to index
      %get3A_399 = tpu.vector_load %arg5[%get3A_398] {strides = array<i32>} : memref<3168xi32, #tpu.memory_space<vmem>>, vector<16xi32>,
      %sub3A_400 = arith.constant 1 : i32
      %sub3A_401 = vector.broadcast %sub3A_400 : i32 to vector<16xi32>
      %sub3A_402 = arith.subi %get3A_399, %sub3A_401 : vector<16xi32>
      %mul3A_403 = arith.constant 256 : i32
      %mul3A_404 = vector.broadcast %mul3A_403 : i32 to vector<16xi32>
      %mul3A_405 = arith.muli %sub3A_402, %mul3A_404 : vector<16xi32>
      %mul3A_406 = arith.constant 96 : i32
      %mul3A_407 = arith.muli %add3A_389, %mul3A_406 : i32
      %add3A_408 = arith.constant 16 : i32
      %add3A_409 = arith.addi %mul3A_407, %add3A_408 : i32
      %get3A_410 = arith.index_cast %add3A_409 : i32 to index
      %get3A_411 = tpu.vector_load %arg5[%get3A_410] {strides = array<i32>} : memref<3168xi32, #tpu.memory_space<vmem>>, vector<16xi32>,
      %sub3A_412 = arith.constant 1 : i32
      %sub3A_413 = vector.broadcast %sub3A_412 : i32 to vector<16xi32>
      %sub3A_414 = arith.subi %get3A_411, %sub3A_413 : vector<16xi32>
      %mul3A_415 = arith.constant 256 : i32
      %mul3A_416 = vector.broadcast %mul3A_415 : i32 to vector<16xi32>
      %mul3A_417 = arith.muli %sub3A_414, %mul3A_416 : vector<16xi32>
      %mul3A_418 = arith.constant 96 : i32
      %mul3A_419 = arith.muli %add3A_389, %mul3A_418 : i32
      %add3A_420 = arith.constant 32 : i32
      %add3A_421 = arith.addi %mul3A_419, %add3A_420 : i32
      %get3A_422 = arith.index_cast %add3A_421 : i32 to index
      %get3A_423 = tpu.vector_load %arg5[%get3A_422] {strides = array<i32>} : memref<3168xi32, #tpu.memory_space<vmem>>, vector<16xi32>,
      %sub3A_424 = arith.constant 1 : i32
      %sub3A_425 = vector.broadcast %sub3A_424 : i32 to vector<16xi32>
      %sub3A_426 = arith.subi %get3A_423, %sub3A_425 : vector<16xi32>
      %mul3A_427 = arith.constant 256 : i32
      %mul3A_428 = vector.broadcast %mul3A_427 : i32 to vector<16xi32>
      %mul3A_429 = arith.muli %sub3A_426, %mul3A_428 : vector<16xi32>
      %mul3A_430 = arith.constant 96 : i32
      %mul3A_431 = arith.muli %add3A_389, %mul3A_430 : i32
      %add3A_432 = arith.constant 48 : i32
      %add3A_433 = arith.addi %mul3A_431, %add3A_432 : i32
      %get3A_434 = arith.index_cast %add3A_433 : i32 to index
      %get3A_435 = tpu.vector_load %arg5[%get3A_434] {strides = array<i32>} : memref<3168xi32, #tpu.memory_space<vmem>>, vector<16xi32>,
      %sub3A_436 = arith.constant 1 : i32
      %sub3A_437 = vector.broadcast %sub3A_436 : i32 to vector<16xi32>
      %sub3A_438 = arith.subi %get3A_435, %sub3A_437 : vector<16xi32>
      %mul3A_439 = arith.constant 256 : i32
      %mul3A_440 = vector.broadcast %mul3A_439 : i32 to vector<16xi32>
      %mul3A_441 = arith.muli %sub3A_438, %mul3A_440 : vector<16xi32>
      %mul3A_442 = arith.constant 96 : i32
      %mul3A_443 = arith.muli %add3A_389, %mul3A_442 : i32
      %add3A_444 = arith.constant 64 : i32
      %add3A_445 = arith.addi %mul3A_443, %add3A_444 : i32
      %get3A_446 = arith.index_cast %add3A_445 : i32 to index
      %get3A_447 = tpu.vector_load %arg5[%get3A_446] {strides = array<i32>} : memref<3168xi32, #tpu.memory_space<vmem>>, vector<16xi32>,
      %sub3A_448 = arith.constant 1 : i32
      %sub3A_449 = vector.broadcast %sub3A_448 : i32 to vector<16xi32>
      %sub3A_450 = arith.subi %get3A_447, %sub3A_449 : vector<16xi32>
      %mul3A_451 = arith.constant 256 : i32
      %mul3A_452 = vector.broadcast %mul3A_451 : i32 to vector<16xi32>
      %mul3A_453 = arith.muli %sub3A_450, %mul3A_452 : vector<16xi32>
      %mul3A_454 = arith.constant 96 : i32
      %mul3A_455 = arith.muli %add3A_389, %mul3A_454 : i32
      %add3A_456 = arith.constant 80 : i32
      %add3A_457 = arith.addi %mul3A_455, %add3A_456 : i32
      %get3A_458 = arith.index_cast %add3A_457 : i32 to index
      %get3A_459 = tpu.vector_load %arg5[%get3A_458] {strides = array<i32>} : memref<3168xi32, #tpu.memory_space<vmem>>, vector<16xi32>,
      %sub3A_460 = arith.constant 1 : i32
      %sub3A_461 = vector.broadcast %sub3A_460 : i32 to vector<16xi32>
      %sub3A_462 = arith.subi %get3A_459, %sub3A_461 : vector<16xi32>
      %mul3A_463 = arith.constant 256 : i32
      %mul3A_464 = vector.broadcast %mul3A_463 : i32 to vector<16xi32>
      %mul3A_465 = arith.muli %sub3A_462, %mul3A_464 : vector<16xi32>
      %parallel_loop3A_466 = arith.constant 0 : i32
      %parallel_loop3A_467 = arith.constant 256 : i32
      %parallel_loop3A_468 = arith.constant 1 : i32
      scf.for %parallel_loop3A_476 = %parallel_loop3A_466 to %parallel_loop3A_467 step %parallel_loop3A_468  : i32 {
        %parallel_loop3A_477 = vector.broadcast %parallel_loop3A_476 : i32 to vector<16xi32>
        %parallel_loop3A_478 = arith.addi %parallel_loop3A_477, %iota3A : vector<16xi32>
        %parallel_loop3A_479 = arith.constant 255 : i32
        %parallel_loop3A_480 = vector.broadcast %parallel_loop3A_479 : i32 to vector<16xi32>
        %parallel_loop3A_481 = arith.andi %parallel_loop3A_478, %parallel_loop3A_480 : vector<16xi32>
        %parallel_loop3A_482 = arith.addi %mul3A_405, %parallel_loop3A_481 : vector<16xi32>
        %parallel_loop3A_483 = tpu.vector_load_idx %arg6[%parallel_loop3A_482] : memref<30720xf32, #tpu.memory_space<vmem>>[vector<16xi32>], vector<16xf32>,
        tpu.vector_store_idx %arg9[%add3A_6, %parallel_loop3A_481], %parallel_loop3A_483 : memref<96x256xf32, #tpu.memory_space<vmem>>[vector<16xi32>, vector<16xi32>], vector<16xf32>,
        %parallel_loop3A_484 = arith.addi %mul3A_417, %parallel_loop3A_481 : vector<16xi32>
        %parallel_loop3A_485 = tpu.vector_load_idx %arg6[%parallel_loop3A_484] : memref<30720xf32, #tpu.memory_space<vmem>>[vector<16xi32>], vector<16xf32>,
        tpu.vector_store_idx %arg9[%add3A_9, %parallel_loop3A_481], %parallel_loop3A_485 : memref<96x256xf32, #tpu.memory_space<vmem>>[vector<16xi32>, vector<16xi32>], vector<16xf32>,
        %parallel_loop3A_486 = arith.addi %mul3A_429, %parallel_loop3A_481 : vector<16xi32>
        %parallel_loop3A_487 = tpu.vector_load_idx %arg6[%parallel_loop3A_486] : memref<30720xf32, #tpu.memory_space<vmem>>[vector<16xi32>], vector<16xf32>,
        tpu.vector_store_idx %arg9[%add3A_12, %parallel_loop3A_481], %parallel_loop3A_487 : memref<96x256xf32, #tpu.memory_space<vmem>>[vector<16xi32>, vector<16xi32>], vector<16xf32>,
        %parallel_loop3A_488 = arith.addi %mul3A_441, %parallel_loop3A_481 : vector<16xi32>
        %parallel_loop3A_489 = tpu.vector_load_idx %arg6[%parallel_loop3A_488] : memref<30720xf32, #tpu.memory_space<vmem>>[vector<16xi32>], vector<16xf32>,
        tpu.vector_store_idx %arg9[%add3A_15, %parallel_loop3A_481], %parallel_loop3A_489 : memref<96x256xf32, #tpu.memory_space<vmem>>[vector<16xi32>, vector<16xi32>], vector<16xf32>,
        %parallel_loop3A_490 = arith.addi %mul3A_453, %parallel_loop3A_481 : vector<16xi32>
        %parallel_loop3A_491 = tpu.vector_load_idx %arg6[%parallel_loop3A_490] : memref<30720xf32, #tpu.memory_space<vmem>>[vector<16xi32>], vector<16xf32>,
        tpu.vector_store_idx %arg9[%add3A_18, %parallel_loop3A_481], %parallel_loop3A_491 : memref<96x256xf32, #tpu.memory_space<vmem>>[vector<16xi32>, vector<16xi32>], vector<16xf32>,
        %parallel_loop3A_492 = arith.addi %mul3A_465, %parallel_loop3A_481 : vector<16xi32>
        %parallel_loop3A_493 = tpu.vector_load_idx %arg6[%parallel_loop3A_492] : memref<30720xf32, #tpu.memory_space<vmem>>[vector<16xi32>], vector<16xf32>,
        tpu.vector_store_idx %arg9[%add3A_21, %parallel_loop3A_481], %parallel_loop3A_493 : memref<96x256xf32, #tpu.memory_space<vmem>>[vector<16xi32>, vector<16xi32>], vector<16xf32>,
      } {sc.loop_unroll_factor = 4 : i64, sc.parallel_access}
      %mul3A_469 = arith.constant 96 : i32
      %mul3A_470 = arith.muli %add3A_389, %mul3A_469 : i32
      %add3A_471 = arith.addi %min3A_3, %mul3A_470 : i32
      %dma_start3A_472 = arith.constant 0 : i32
      %dma_start3A_473 = tpu.memref_slice %arg4[%add3A_471, %dma_start3A_472] : memref<100000x256xf32, #tpu.memory_space<hbm>> -> memref<96x256xf32, #tpu.memory_space<hbm>>
      %dma_start3A_474 = arith.constant 0 : i32
      %dma_start3A_475 = tpu.memref_slice %arg4[%add3A_471, %dma_start3A_474] : memref<100000x256xf32, #tpu.memory_space<hbm>> -> memref<96x256xf32, #tpu.memory_space<hbm>>
      tpu.enqueue_dma source(%arg9 : memref<96x256xf32, #tpu.memory_space<vmem>>) target(%dma_start3A_475 : memref<96x256xf32, #tpu.memory_space<hbm>>) target_semaphore(%arg12 : memref<!tpu.dma_semaphore, #tpu.memory_space<semaphore_mem>>)
    }
    %scan3A_193 = arith.constant 10 : i32
    %dma_wait3A = arith.constant 0 : i32
    %dma_wait3A_194 = tpu.memref_slice %arg4[%min3A_3, %dma_wait3A] : memref<100000x256xf32, #tpu.memory_space<hbm>> -> memref<96x256xf32, #tpu.memory_space<hbm>>
    %dma_wait3A_195 = arith.constant 0 : i32
    %dma_wait3A_196 = tpu.memref_slice %arg4[%min3A_3, %dma_wait3A_195] : memref<100000x256xf32, #tpu.memory_space<hbm>> -> memref<96x256xf32, #tpu.memory_space<hbm>>
    tpu.wait_dma2 semaphore(%arg10 : memref<!tpu.dma_semaphore, #tpu.memory_space<semaphore_mem>>) src(%arg7 : memref<96x256xf32, #tpu.memory_space<vmem>>) dst(%dma_wait3A_196 : memref<96x256xf32, #tpu.memory_space<hbm>>)
    %dma_wait3A_197 = arith.constant 0 : i32
    %dma_wait3A_198 = tpu.memref_slice %arg4[%min3A_3, %dma_wait3A_197] : memref<100000x256xf32, #tpu.memory_space<hbm>> -> memref<96x256xf32, #tpu.memory_space<hbm>>
    %dma_wait3A_199 = arith.constant 0 : i32
    %dma_wait3A_200 = tpu.memref_slice %arg4[%min3A_3, %dma_wait3A_199] : memref<100000x256xf32, #tpu.memory_space<hbm>> -> memref<96x256xf32, #tpu.memory_space<hbm>>
    tpu.wait_dma2 semaphore(%arg11 : memref<!tpu.dma_semaphore, #tpu.memory_space<semaphore_mem>>) src(%arg8 : memref<96x256xf32, #tpu.memory_space<vmem>>) dst(%dma_wait3A_200 : memref<96x256xf32, #tpu.memory_space<hbm>>)
    %dma_wait3A_201 = arith.constant 0 : i32
    %dma_wait3A_202 = tpu.memref_slice %arg4[%min3A_3, %dma_wait3A_201] : memref<100000x256xf32, #tpu.memory_space<hbm>> -> memref<96x256xf32, #tpu.memory_space<hbm>>
    %dma_wait3A_203 = arith.constant 0 : i32
    %dma_wait3A_204 = tpu.memref_slice %arg4[%min3A_3, %dma_wait3A_203] : memref<100000x256xf32, #tpu.memory_space<hbm>> -> memref<96x256xf32, #tpu.memory_space<hbm>>
    tpu.wait_dma2 semaphore(%arg12 : memref<!tpu.dma_semaphore, #tpu.memory_space<semaphore_mem>>) src(%arg9 : memref<96x256xf32, #tpu.memory_space<vmem>>) dst(%dma_wait3A_204 : memref<96x256xf32, #tpu.memory_space<hbm>>)
    return
  }
}

</mosaic_0001>

<sc_bundles>
// kernel: _embed_lookup.3.cloned.1.call-start
scs
__scs_entry_jumppad:
0x0: {  	(pc) =	sbr.rel $0x88, $3  }
0x1: {  	(tag) =	ssettag $0x0;
	lr =	simm.s32 $0x1  }
0x2: {  	[smem:$0x3F9F] =	sst lr;
	_ =	strace $0xD0000000  }
0x3: {  	_ = 	snop  }
0x4: {  	_ = 	snop  }
0x5: {  	_ = 	snop  }
0x6: {  	_ = 	snop  }
0x7: {  	_ = 	snop  }
__scs_overlays_trampoline_lowered:
0x8: {  	[smem:$0x3FAE] =	sst s0  }
0x9: {  	[smem:$0x3FAF] =	sst s1  }
0xa: {  	[smem:$0x3FB0] =	sst s2  }
0xb: {  	[smem:$0x3FB1] =	sst s3  }
0xc: {  	[smem:$0x3FB2] =	sst s4  }
0xd: {  	[smem:$0x3FB3] =	sst s5  }
0xe: {  	[smem:$0x3FB4] =	sst s6  }
0xf: {  	[smem:$0x3FB5] =	sst s7  }
0x10: {  	[smem:$0x3FB6] =	sst s8  }
0x11: {  	[smem:$0x3FB7] =	sst s9;
	s0 =	simm.s32 @!p0 $0x0  }
0x12: {  	s1 =	sld [smem:$0x3F9D];
	s0 =	simm.s32 @p0 $0x1  }
0x13: {  	[smem:$0x3FB8] =	sst s0;
	s0 =	simm.s32 @!p1 $0x0  }
0x14: {  	s2 =	sld [smem:$0x3F9C];
	s0 =	simm.s32 @p1 $0x1  }
0x15: {  	[smem:$0x3FB9] =	sst s0;
	s0 =	simm.s32 @!p2 $0x0  }
0x16: {  	s3 =	sld [smem:$0x3FDB];
	s0 =	simm.s32 @p2 $0x1  }
0x17: {  	s4 =	simm.s32 $0x1BF5;
	[smem:$0x3FBB] =	sst s0  }
0x18: {  	s0 =	sld [smem:$0x3F9E];
	_ =	swait.ge [sflag:s4], $0x0  }
0x19: {  	s7 =	sld [smem:$0x3F9F]  }
0x1a: {  	s8 =	sadd.s32 $0xFFFFE003, lr  }
0x1b: {  	s9 =	sadd.s32 $0xFFFFFEF7, lr;
	s5 =	simm.s32 $0xFFFFFFFF;
	p2 =	slt.u32 s8, $0xFFFFF086  }
0x1c: {  	p1 =	slt.u32 s9, $0xF7A;
	s5 =	simm.s32 @!p2 $0x0  }
0x1d: {  	s5 =	simm.s32 @p1 $0x1;
	p0 =	seq.s32 s7, s2  }
0x1e: {  	s7 =	smul.u32 @!p0 $0xF7A, s2;
	p2 =	seq.s32 @!p0 s5, $0x0  }
0x1f: {  	s9 =	smul.u32 $0xF7A, s1;
	s8 =	simm.s32 @!p0 $0x1BF5;
	p2 =	por !p2, p0  }
0x20: {  	[sflag:s8] =	ssyncset.s32 @!p0 $0xFFFFF086;
	s6 =	sadd.s32 @!p0 s3, s7;
	s7 =	simm.s32 @!p0 $0x108  }
0x21: {  	s3 =	sadd.s32 s3, s9;
	s6 =	sadd.s32 @!p0 $0x88, s6;
	s7 =	simm.s32 @p2 $0x1082  }
0x22: {  	[simem:s7], [sflag:s8] =	dma.local @!p0 [hbm:s6], $0xF7A  }
0x23: {  	s9 =	sor.u32 $0xD0000000, s2;
	s6 =	simm.s32 $0x108;
	_ =	swait.ge @!p0 [sflag:s8], $0x0  }
0x24: {  	s3 =	sadd.s32 $0x88, s3;
	s6 =	simm.s32 @!p1 $0x1082;
	[sflag:s4] =	ssyncset.s32 $0xFFFFF086  }
0x25: {  	[simem:s6], [sflag:s4] =	dma.local [hbm:s3], $0xF7A  }
0x26: {  	[smem:$0x3F9F] =	sst s1;
	(tag) =	ssettag s2;
	_ =	strace s9  }
0x27: {  	s1 =	sld [smem:$0x3FAF]  }
0x28: {  	s2 =	sld [smem:$0x3FB0]  }
0x29: {  	s4 =	sld [smem:$0x3FB2]  }
0x2a: {  	p0 =	seq.s32 s5, $0x0;
	s5 =	sld [smem:$0x3FB3]  }
0x2b: {  	s6 =	sld [smem:$0x3FB4]  }
0x2c: {  	s7 =	sld [smem:$0x3FB5]  }
0x2d: {  	s3 =	simm.s32 $0x108;
	s8 =	sld [smem:$0x3FB6]  }
0x2e: {  	s3 =	simm.s32 @!p0 $0x1082;
	s9 =	sld [smem:$0x3FB7]  }
0x2f: {  	lr =	sadd.s32 s0, s3;
	s0 =	sld [smem:$0x3FAE]  }
0x30: {  	s3 =	sld [smem:$0x3FB1]  }
0x31: {  	[smem:$0x3FBA] =	sst s10  }
0x32: {  	s10 =	sld [smem:$0x3FB8];
	_ =	sdelay $0x3  }
0x33: {  	p0 =	seq.s32 s10, $0x1;
	s10 =	sld [smem:$0x3FBA];
	_ =	sdelay $0x3  }
0x34: {  	[smem:$0x3FBA] =	sst s10  }
0x35: {  	s10 =	sld [smem:$0x3FB9];
	_ =	sdelay $0x3  }
0x36: {  	p1 =	seq.s32 s10, $0x1;
	s10 =	sld [smem:$0x3FBA];
	_ =	sdelay $0x3  }
0x37: {  	[smem:$0x3FBA] =	sst s10  }
0x38: {  	s10 =	sld [smem:$0x3FBB]  }
0x39: {  	_ = 	snop;
	(pc) =	sbr.ind lr, $3  }
0x3a: {  	_ = 	snop  }
0x3b: {  	_ = 	snop  }
0x3c: {  	p2 =	seq.s32 s10, $0x1;
	s10 =	sld [smem:$0x3FBA]  }
0x3d: {  	_ =	shalt  }
0x3e: {  	_ =	shalt  }
0x3f: {  	_ =	shalt  }
0x40: {  	_ =	shalt  }
0x41: {  	_ =	shalt  }
0x42: {  	_ =	shalt  }
0x43: {  	_ =	shalt  }
0x44: {  	_ =	shalt  }
0x45: {  	_ =	shalt  }
0x46: {  	_ =	shalt  }
0x47: {  	_ =	shalt  }
0x48: {  	_ =	shalt  }
0x49: {  	_ =	shalt  }
0x4a: {  	_ =	shalt  }
0x4b: {  	_ =	shalt  }
0x4c: {  	_ =	shalt  }
0x4d: {  	_ =	shalt  }
0x4e: {  	_ =	shalt  }
0x4f: {  	_ =	shalt  }
0x50: {  	_ =	shalt  }
0x51: {  	_ =	shalt  }
0x52: {  	_ =	shalt  }
0x53: {  	_ =	shalt  }
0x54: {  	_ =	shalt  }
0x55: {  	_ =	shalt  }
0x56: {  	_ =	shalt  }
0x57: {  	_ =	shalt  }
0x58: {  	_ =	shalt  }
0x59: {  	_ =	shalt  }
0x5a: {  	_ =	shalt  }
0x5b: {  	_ =	shalt  }
0x5c: {  	_ =	shalt  }
0x5d: {  	_ =	shalt  }
0x5e: {  	_ =	shalt  }
0x5f: {  	_ =	shalt  }
0x60: {  	_ =	shalt  }
0x61: {  	_ =	shalt  }
0x62: {  	_ =	shalt  }
0x63: {  	_ =	shalt  }
0x64: {  	_ =	shalt  }
0x65: {  	_ =	shalt  }
0x66: {  	_ =	shalt  }
0x67: {  	_ =	shalt  }
0x68: {  	_ =	shalt  }
0x69: {  	_ =	shalt  }
0x6a: {  	_ =	shalt  }
0x6b: {  	_ =	shalt  }
0x6c: {  	_ =	shalt  }
0x6d: {  	_ =	shalt  }
0x6e: {  	_ =	shalt  }
0x6f: {  	_ =	shalt  }
0x70: {  	_ =	shalt  }
0x71: {  	_ =	shalt  }
0x72: {  	_ =	shalt  }
0x73: {  	_ =	shalt  }
0x74: {  	_ =	shalt  }
0x75: {  	_ =	shalt  }
0x76: {  	_ =	shalt  }
0x77: {  	_ =	shalt  }
0x78: {  	_ =	shalt  }
0x79: {  	_ =	shalt  }
0x7a: {  	_ =	shalt  }
0x7b: {  	_ =	shalt  }
0x7c: {  	_ =	shalt  }
0x7d: {  	_ =	shalt  }
0x7e: {  	_ =	shalt  }
0x7f: {  	_ =	shalt  }
0x80: {  	_ =	shalt  }
0x81: {  	_ =	shalt  }
0x82: {  	_ =	shalt  }
0x83: {  	_ =	shalt  }
0x84: {  	_ =	shalt  }
0x85: {  	_ =	shalt  }
0x86: {  	_ =	shalt  }
0x87: {  	_ =	shalt  }
.Lfunc_end0:
.L_simem_size_0:
called_computation_lowered:
.L_overlay_start_0:
0x88: {  	s2 =	sld [smem:$0x3FD9]  }
0x89: {  	s3 =	sld [smem:$0x3FFE];
	_ =	sdelay $0x1  }
0x8a: {  	s1 =	srdreg.scid  }
0x8b: {  	s0 =	sand.u32 $0x1, s1  }
0x8c: {  	s18 =	sshll.u32 s0, $0xA;
	s2 =	sadd.s32 s3, s2  }
0x8d: {  	s2 =	sadd.s32 s2, s18  }
0x8e: {  	[smem:$0x3FC6] =	sst s2  }
0x8f: {  	_ = 	snop  }
0x90: {  	s2 =	sld [smem:$0x3FC9]  }
0x91: {  	s19 =	sld [smem:$0x3FC8]  }
0x92: {  	s4 =	sld [smem:$0x3FD0];
	(tm) =	ssettm $0x1  }
0x93: {  	s5 =	sld [smem:$0x3FFB];
	_ =	sdelay $0x3  }
0x94: {  	_ =	strace s5  }
0x95: {  	s5 =	sld [smem:$0x3FFC];
	_ =	sdelay $0x3  }
0x96: {  	_ =	strace s5  }
0x97: {  	s5 =	sld [smem:$0x3FFD];
	_ =	sdelay $0x3  }
0x98: {  	_ =	strace s5  }
0x99: {  	_ =	strace $0x8FFFFFFF  }
0x9a: {  	s20 =	sld [smem:$0x3FDB];
	_ =	sdelay $0x1  }
0x9b: {  	s6 =	simm.s32 $_scs_section_size  }
0x9c: {  	s7 =	simm.s32 $_size__tile_overlayer_lowered;
	s8 =	simm.s32 $_tile_overlayer_lowered  }
0x9d: {  	s23 =	simm.s32 $0x1BFF;
	s22 =	sshll.u32 s8, $0x1;
	s5 =	sadd.s32 s6, s20  }
0x9e: {  	s9 =	simm.s32 $0x0;
	s21 =	sshll.u32 s7, $0x1;
	s7 =	sadd.s32 s22, s5  }
0x9f: {  	[timem:s9], [sflag:s23] =	dma.local [hbm:s7], s21  }
0xa0: {  	_ =	swait.ge [sflag:s23], s21  }
0xa1: {  	s6 =	ssub.s32 $0x0, s21;
	[sflag:s23] =	ssyncset.done $0x0  }
0xa2: {  	[sflag:s23] =	ssyncadd.s32 s6;
	_ =	sdelay $0x1  }
0xa3: {  	s24 =	simm.s32 $0x1B8B  }
0xa4: {  	_ =	swait.ge [sflag:s24], $0x1  }
0xa5: {  	[sflag:s24] =	ssyncset.done $0x0  }
0xa6: {  	s25 =	simm.s32 $0x1B8E;
	[sflag:s24] =	ssyncadd.s32 $0xFFFFFFFF  }
0xa7: {  	s26 =	simm.s32 $execute0_lowered;
	[smem:$0x3FD2] =	sst s25  }
0xa8: {  	s6 =	sshll.u32 s26, $0x1;
	_ =	strace $0x80000046;
	[dreg:$0x1] =	wrdreg $0xFFFFFFFF  }
0xa9: {  	s28 =	simm.s32 $_size_execute0_lowered;
	s5 =	sadd.s32 s5, s6;
	[dreg:$0x0] =	wrdreg $0x0  }
0xaa: {  	s6 =	sshll.u32 s28, $0x1;
	[dreg:$0x2] =	wrdreg s5  }
0xab: {  	[dreg:$0x3] =	wrdreg s6  }
0xac: {  	[dreg:$0x4] =	wrdreg $0xC0  }
0xad: {  	_ =	task [dreg:s9], $0x5FFFF  }
0xae: {  	[dreg:$0x1] =	wrdreg $0xFFFFFFFF  }
0xaf: {  	[dreg:$0x0] =	wrdreg $0x60  }
0xb0: {  	[dreg:$0x2] =	wrdreg s2  }
0xb1: {  	[dreg:$0x3] =	wrdreg s19  }
0xb2: {  	[dreg:$0x4] =	wrdreg s4  }
0xb3: {  	[dreg:$0x5] =	wrdreg $0x9  }
0xb4: {  	_ =	task.clear_ibuf [dreg:s9], $0x6FFFF;
	_ =	strace $0x90000046  }
0xb5: {  	s29 =	simm.s32 $0x9;
	_ =	strace $0x80000048  }
0xb6: {  	_ =	swait.ge [sflag:s29], $0x1  }
0xb7: {  	[sflag:s29] =	ssyncadd.s32 $0xFFFFFFFF  }
0xb8: {  	_ =	strace $0x90000048  }
0xb9: {  	_ =	sfence  }
0xba: {  	s30 =	sld [smem:$0x0];
	_ =	sdelay $0x2  }
0xbb: {  	s31 =	sshll.u32 s1, $0xD;
	s1 =	sshrl.u32 s1, $0x2  }
0xbc: {  	s3 =	sand.u32 $0x4000, s31;
	s1 =	sadd.s32 s1, s30  }
0xbd: {  	s0 =	sor.u32 s3, s0;
	s1 =	sshll.u32 s1, $0x11  }
0xbe: {  	s0 =	sor.u32 s1, s0  }
0xbf: {  	s0 =	sadd.s32 $0x8F2B, s0  }
0xc0: {  	[sflag:s0] =	ssyncadd.remote.s32 $0x1  }
0xc1: {  	_ =	sfence.sel $0xFFFF  }
0xc2: {  	[dreg:$0x0] =	wrdreg $0xFFFFFFFF;
	(pc) =	sbr.abs _section_cstart, $3  }
0xc3: {  	[dreg:$0x1] =	wrdreg $0xFFFFFFFF  }
0xc4: {  	_ =	task.clear_ibuf [dreg:s9], $0x2FFFF;
	_ =	strace $0x9FFFFFFF  }
0xc5: {  	(tm) =	ssettm $0x7FFFFFFF  }
tec
execute0_lowered:
.L_overlay_start_1:
0x0: {  	(tag) =	ssettag $0x1  }
0x1: {  	v0 =	vimm.s32 $0xB80  }
0x2: {  	vm14 =	vcmask $0x300;
	vm13 =	vcmask $0x704;
	vm12 =	vcmask $0xB08  }
0x3: {  	vm11 =	vcmask $0xF0C;
	vm10 =	vcmask $0x1310;
	vm9 =	vcmask $0x1714  }
0x4: {  	vm6 =	vcmask $0x1B18;
	vm0 =	vcmask $0x1F1C;
	v2 =	vimm.s32 $0x1B80  }
0x5: {  	v3 =	vimm.s32 $0x2B80;
	vm1 =	vcmask $0x2320;
	vm2 =	vcmask $0x2724  }
0x6: {  	vm3 =	vcmask $0x2B28;
	vm4 =	vcmask $0x2F2C;
	vm5 =	vcmask $0x3330  }
0x7: {  	vm7 =	vcmask $0x3734;
	vm8 =	vcmask $0x3B38;
	v4 =	vimm.s32 $0x3B80  }
0x8: {  	v5 =	vimm.s32 $0x4B80;
	v6 =	vimm.s32 $0x5B80;
	v0 =	vsel vm14, $0x0, v0  }
0x9: {  	v2 =	vsel vm14, $0x1000, v2;
	v3 =	vsel vm14, $0x2000, v3;
	v4 =	vsel vm14, $0x3000, v4  }
0xa: {  	v5 =	vsel vm14, $0x4000, v5;
	v6 =	vsel vm14, $0x5000, v6;
	v0 =	vsel vm13, $0x80, v0  }
0xb: {  	v2 =	vsel vm13, $0x1080, v2;
	v3 =	vsel vm13, $0x2080, v3;
	v4 =	vsel vm13, $0x3080, v4  }
0xc: {  	v5 =	vsel vm13, $0x4080, v5;
	v6 =	vsel vm13, $0x5080, v6;
	v0 =	vsel vm12, $0x100, v0  }
0xd: {  	v2 =	vsel vm12, $0x1100, v2;
	v3 =	vsel vm12, $0x2100, v3;
	v4 =	vsel vm12, $0x3100, v4  }
0xe: {  	v5 =	vsel vm12, $0x4100, v5;
	v6 =	vsel vm12, $0x5100, v6;
	v0 =	vsel vm11, $0x180, v0  }
0xf: {  	v2 =	vsel vm11, $0x1180, v2;
	v3 =	vsel vm11, $0x2180, v3;
	v4 =	vsel vm11, $0x3180, v4  }
0x10: {  	v5 =	vsel vm11, $0x4180, v5;
	v6 =	vsel vm11, $0x5180, v6;
	v0 =	vsel vm10, $0x200, v0  }
0x11: {  	v2 =	vsel vm10, $0x1200, v2;
	v3 =	vsel vm10, $0x2200, v3;
	v4 =	vsel vm10, $0x3200, v4  }
0x12: {  	v5 =	vsel vm10, $0x4200, v5;
	v6 =	vsel vm10, $0x5200, v6;
	v1 =	vsel vm9, $0x280, v0  }
0x13: {  	v0 =	vlaneseq.u32;
	v2 =	vsel vm9, $0x1280, v2;
	v3 =	vsel vm9, $0x2280, v3  }
0x14: {  	v4 =	vsel vm9, $0x3280, v4;
	v5 =	vsel vm9, $0x4280, v5;
	v6 =	vsel vm9, $0x5280, v6  }
0x15: {  	v1 =	vsel vm6, $0x300, v1;
	v2 =	vsel vm6, $0x1300, v2;
	v3 =	vsel vm6, $0x2300, v3  }
0x16: {  	v4 =	vsel vm6, $0x3300, v4;
	v5 =	vsel vm6, $0x4300, v5;
	v6 =	vsel vm6, $0x5300, v6  }
0x17: {  	v1 =	vsel vm0, $0x380, v1;
	v2 =	vsel vm0, $0x1380, v2;
	v3 =	vsel vm0, $0x2380, v3  }
0x18: {  	v4 =	vsel vm0, $0x3380, v4;
	v5 =	vsel vm0, $0x4380, v5;
	v6 =	vsel vm0, $0x5380, v6  }
0x19: {  	v1 =	vsel vm1, $0x800, v1;
	v2 =	vsel vm1, $0x1800, v2;
	v3 =	vsel vm1, $0x2800, v3  }
0x1a: {  	v4 =	vsel vm1, $0x3800, v4;
	v5 =	vsel vm1, $0x4800, v5;
	v6 =	vsel vm1, $0x5800, v6  }
0x1b: {  	s6 =	rddreg [dreg:$0x0];
	v1 =	vsel vm2, $0x880, v1;
	v2 =	vsel vm2, $0x1880, v2;
	v3 =	vsel vm2, $0x2880, v3  }
0x1c: {  	s2 =	srdreg.scid;
	s1 =	rddreg [dreg:$0x1];
	v4 =	vsel vm2, $0x3880, v4;
	v5 =	vsel vm2, $0x4880, v5;
	v6 =	vsel vm2, $0x5880, v6  }
0x1d: {  	s0 =	stileid.u32;
	s3 =	rddreg [dreg:$0x2];
	s4 =	simm.s32 $0x0;
	v1 =	vsel vm3, $0x900, v1;
	v2 =	vsel vm3, $0x1900, v2;
	v3 =	vsel vm3, $0x2900, v3  }
0x1e: {  	s12 =	simm.s32 $0x4;
	s13 =	simm.s32 $0x8480;
	s14 =	simm.s32 $0xE480;
	v4 =	vsel vm3, $0x3900, v4;
	v5 =	vsel vm3, $0x4900, v5;
	v6 =	vsel vm3, $0x5900, v6  }
0x1f: {  	s15 =	simm.s32 $0x14480;
	s5 =	sand.u32 $0x1, s2;
	s30 =	sshll.u32 s0, $0x1;
	v1 =	vsel vm4, $0x980, v1;
	v2 =	vsel vm4, $0x1980, v2;
	v3 =	vsel vm4, $0x2980, v3  }
0x20: {  	s16 =	simm.s32 $0x1;
	s17 =	simm.s32 $0x2;
	s7 =	sor.u32 s5, s30;
	v4 =	vsel vm4, $0x3980, v4;
	v5 =	vsel vm4, $0x4980, v5;
	v6 =	vsel vm4, $0x5980, v6  }
0x21: {  	s18 =	simm.s32 $0x3;
	s2 =	rddreg [dreg:$0x3];
	s7 =	smul.u32 $0xC60, s7;
	v1 =	vsel vm5, $0xA00, v1;
	v2 =	vsel vm5, $0x1A00, v2;
	v3 =	vsel vm5, $0x2A00, v3  }
0x22: {  	s19 =	simm.s32 $0x0;
	[smem:$0x7FF] =	sst s4;
	s8 =	ssub.s32 $0x2, s5;
	v4 =	vsel vm5, $0x3A00, v4;
	v5 =	vsel vm5, $0x4A00, v5;
	v6 =	vsel vm5, $0x5A00, v6  }
0x23: {  	_ =	strace $0x80000047;
	s31 =	sshrl.u32 s8, $0x1;
	s5 =	smin.u32 s7, $0x17A40;
	v1 =	vsel vm7, $0xA80, v1;
	v2 =	vsel vm7, $0x1A80, v2;
	v3 =	vsel vm7, $0x2A80, v3  }
0x24: {  	s11 =	ssub.s32 s8, s31;
	s9 =	sshrl.u32 s5, $0x3;
	s10 =	sshll.u32 s5, $0x5;
	v4 =	vsel vm7, $0x3A80, v4;
	v5 =	vsel vm7, $0x4A80, v5;
	v6 =	vsel vm7, $0x5A80, v6  }
0x25: {  	s6 =	sadd.s32 s6, s9;
	s7 =	sadd.s32 s3, s10;
	s10 =	smax.u32 s11, $0x1;
	v1 =	vsel vm8, $0xB00, v1;
	v2 =	vsel vm8, $0x1B00, v2;
	v3 =	vsel vm8, $0x2B00, v3  }
0x26: {  	s11 =	simm.s32 $0xC80;
	s8 =	sadd.s32 $0xC00, s7;
	s9 =	sadd.s32 $0x1800, s7;
	v4 =	vsel vm8, $0x3B00, v4;
	v5 =	vsel vm8, $0x4B00, v5;
	v6 =	vsel vm8, $0x5B00, v6  }
.LBB2_1:
0x27: {  	[tilespmem:s11], [sflag:$0x4] =	stream.linear.gather [hbm4b:s1+s4], $0x7800, $0x38;
	[tilespmem:$0x1A480] =	vst v63  }
0x28: {  	_ =	swait.ge [sflag:s12], $0x7800  }
0x29: {  	[sflag:s12] =	ssyncset.done $0x0  }
0x2a: {  	[sflag:s12] =	ssyncadd.s32 $0xFFFF8800  }
0x2b: {  	[tilespmem:s4], [sflag:$0x4] =	stream.linear.gather [hbm4b:s6+s4], $0xC60, $0x38;
	[tilespmem:$0x1A480] =	vst v63  }
0x2c: {  	_ =	swait.ge [sflag:s12], $0xC60  }
0x2d: {  	[sflag:s12] =	ssyncset.done $0x0  }
0x2e: {  	[sflag:s12] =	ssyncadd.s32 $0xFFFFF3A0  }
0x2f: {  	v7 =	vld [tilespmem:$0x0];
	_ =	sdelay $0x3  }
0x30: {  	v9 =	vadd.s32 s4, v0  }
0x31: {  	v20 =	vor.u32 $0xFFFFFF00, v9;
	v8 =	vld [tilespmem:$0x10];
	v17 =	vshll.u32 v7, $0x8  }
0x32: {  	v7 =	vld [tilespmem:$0x20];
	v11 =	vadd.s32 v17, v20;
	_ =	sdelay $0x1  }
0x33: {  	v10 =	vshll.u32 v9, $0x3  }
0x34: {  	s30 =	simm.s32 $0x3;
	v9 =	vand.u32 $0x7F, v9;
	v10 =	vand.u32 $0x400, v10  }
0x35: {  	s20 =	simm.s32 $0x2;
	v19 =	vadd.s32 s30, v0;
	v25 =	vor.u32 v9, v10;
	v15 =	vshll.u32 v8, $0x8  }
0x36: {  	s21 =	simm.s32 $0x1;
	v8 =	vadd.s32 s20, v0;
	v10 =	vshll.u32 v7, $0x8;
	v7 =	vor.u32 v1, v25;
	v11 =	vld.idx.msk [tilespmem:v11+s11+$0x0], $0xffff  }
0x37: {  	v23 =	vadd.s32 s21, v0;
	v12 =	vadd.s32 v15, v20;
	v26 =	vor.u32 $0xFFFFFF00, v8  }
0x38: {  	v9 =	vor.u32 $0xFFFFFF00, v19;
	v18 =	vand.u32 $0x7F, v8;
	v22 =	vadd.s32 v17, v26  }
0x39: {  	v21 =	vld [tilespmem:$0x30];
	v27 =	vshll.u32 v8, $0x3;
	v8 =	vor.u32 $0xFFFFFF00, v23;
	v13 =	vadd.s32 v17, v9  }
0x3a: {  	v14 =	vor.u32 v2, v25;
	v24 =	vld [tilespmem:$0x40];
	v29 =	vadd.s32 v17, v8;
	v30 =	vand.u32 $0xFFFFFF80, v13  }
0x3b: {  	v28 =	vld [tilespmem:$0x50];
	v13 =	vand.u32 $0x7F, v19;
	v32 =	vadd.s32 v15, v8;
	[tilespmem:v7+s13+$0x0] =	vst.idx.msk $0xffff, v11;
	v7 =	vand.u32 $0x400, v27  }
0x3c: {  	v11 =	vshll.u32 v23, $0x3;
	v27 =	vor.u32 v13, v30;
	v30 =	vld.idx.msk [tilespmem:v12+s11+$0x0], $0xffff;
	v7 =	vor.u32 v18, v7  }
0x3d: {  	v22 =	vld.idx.msk [tilespmem:v22+s11+$0x0], $0xffff;
	v12 =	vand.u32 $0x7F, v23;
	v11 =	vand.u32 $0x400, v11;
	v23 =	vor.u32 v1, v7  }
0x3e: {  	v12 =	vor.u32 v12, v11;
	v11 =	vshll.u32 v19, $0x3;
	v19 =	vadd.s32 v15, v26  }
0x3f: {  	v16 =	vadd.s32 v10, v20;
	v29 =	vld.idx.msk [tilespmem:v29+s11+$0x0], $0xffff;
	v31 =	vor.u32 v1, v12;
	v11 =	vand.u32 $0x400, v11  }
0x40: {  	s20 =	simm.s32 $0x4;
	v36 =	vadd.s32 v10, v26;
	v18 =	vadd.s32 v15, v9;
	v11 =	vor.u32 v13, v11  }
0x41: {  	v33 =	vadd.s32 s20, v0;
	v18 =	vand.u32 $0xFFFFFF80, v18;
	v27 =	vld.idx.msk [tilespmem:v27+s11+$0x0], $0xffff;
	v34 =	vor.u32 v1, v11;
	[tilespmem:v14+s13+$0x0] =	vst.idx.msk $0xffff, v30  }
0x42: {  	v58 =	vadd.s32 v10, v9;
	v30 =	vor.u32 v13, v18;
	v14 =	vor.u32 $0xFFFFFF00, v33;
	[tilespmem:v23+s13+$0x0] =	vst.idx.msk $0xffff, v22  }
0x43: {  	v59 =	vadd.s32 v10, v8;
	v22 =	vadd.s32 v17, v14;
	v23 =	vor.u32 v2, v7;
	v19 =	vld.idx.msk [tilespmem:v19+s11+$0x0], $0xffff  }
0x44: {  	v18 =	vshll.u32 v21, $0x8;
	v16 =	vld.idx.msk [tilespmem:v16+s11+$0x0], $0xffff;
	[tilespmem:v31+s13+$0x0] =	vst.idx.msk $0xffff, v29;
	v31 =	vor.u32 v3, v25  }
0x45: {  	v62 =	vor.u32 v3, v12;
	v21 =	vshll.u32 v33, $0x3;
	v35 =	vadd.s32 v18, v20  }
0x46: {  	v21 =	vand.u32 $0x400, v21;
	v29 =	vand.u32 $0x7F, v33;
	v32 =	vld.idx.msk [tilespmem:v32+s11+$0x0], $0xffff;
	[tilespmem:v34+s13+$0x0] =	vst.idx.msk $0xffff, v27;
	v27 =	vor.u32 v2, v12  }
0x47: {  	v37 =	vor.u32 v2, v11;
	v33 =	vand.u32 $0xFFFFFF80, v58;
	v21 =	vor.u32 v29, v21;
	v30 =	vld.idx.msk [tilespmem:v30+s11+$0x0], $0xffff  }
0x48: {  	v29 =	vor.u32 v13, v33;
	v22 =	vld.idx.msk [tilespmem:v22+s11+$0x0], $0xffff;
	[tilespmem:v23+s13+$0x0] =	vst.idx.msk $0xffff, v19;
	v23 =	vor.u32 v1, v21  }
0x49: {  	v39 =	vor.u32 v3, v11;
	[tilespmem:v31+s13+$0x0] =	vst.idx.msk $0xffff, v16;
	v31 =	vor.u32 v3, v7;
	v60 =	vld.idx.msk [tilespmem:v36+s11+$0x0], $0xffff  }
0x4a: {  	v61 =	vadd.s32 v15, v14;
	v19 =	vshll.u32 v24, $0x8;
	v16 =	vshll.u32 v28, $0x8  }
0x4b: {  	v28 =	vor.u32 v4, v25;
	v35 =	vld.idx.msk [tilespmem:v35+s11+$0x0], $0xffff;
	[tilespmem:v27+s13+$0x0] =	vst.idx.msk $0xffff, v32;
	v27 =	vadd.s32 v18, v26  }
0x4c: {  	v24 =	vadd.s32 v18, v9;
	v34 =	vld.idx.msk [tilespmem:v59+s11+$0x0], $0xffff;
	[tilespmem:v37+s13+$0x0] =	vst.idx.msk $0xffff, v30;
	v30 =	vadd.s32 v19, v20  }
0x4d: {  	s31 =	simm.s32 $0x6;
	v38 =	vld.idx.msk [tilespmem:v29+s11+$0x0], $0xffff;
	v29 =	vadd.s32 v18, v8;
	[tilespmem:v23+s13+$0x0] =	vst.idx.msk $0xffff, v22;
	v22 =	vand.u32 $0xFFFFFF80, v24  }
0x4e: {  	v42 =	vadd.s32 s31, v0;
	v43 =	vor.u32 v4, v7;
	[tilespmem:v31+s13+$0x0] =	vst.idx.msk $0xffff, v60;
	v31 =	vor.u32 v13, v22  }
0x4f: {  	v63 =	vor.u32 v2, v21;
	v36 =	vand.u32 $0x7F, v42;
	v33 =	vadd.s32 v19, v8;
	v40 =	vld.idx.msk [tilespmem:v61+s11+$0x0], $0xffff  }
0x50: {  	v24 =	vadd.s32 v16, v20;
	v23 =	vadd.s32 v10, v14;
	[tilespmem:v28+s13+$0x0] =	vst.idx.msk $0xffff, v35;
	v41 =	vld.idx.msk [tilespmem:v27+s11+$0x0], $0xffff  }
0x51: {  	v20 =	vor.u32 $0xFFFFFF00, v42;
	v42 =	vshll.u32 v42, $0x3;
	v27 =	vadd.s32 v19, v26;
	v32 =	vld.idx.msk [tilespmem:v30+s11+$0x0], $0xffff;
	[tilespmem:v62+s13+$0x0] =	vst.idx.msk $0xffff, v34  }
0x52: {  	v22 =	vor.u32 v6, v25;
	v28 =	vor.u32 v5, v25;
	v29 =	vld.idx.msk [tilespmem:v29+s11+$0x0], $0xffff;
	[tilespmem:v39+s13+$0x0] =	vst.idx.msk $0xffff, v38  }
0x53: {  	v25 =	vadd.s32 v16, v26;
	v34 =	vor.u32 v4, v12;
	v30 =	vld.idx.msk [tilespmem:v31+s11+$0x0], $0xffff;
	v31 =	vadd.s32 v19, v9  }
0x54: {  	v35 =	vor.u32 v4, v11;
	v37 =	vadd.s32 v17, v20;
	[tilespmem:v63+s13+$0x0] =	vst.idx.msk $0xffff, v40;
	v31 =	vand.u32 $0xFFFFFF80, v31  }
0x55: {  	s22 =	simm.s32 $0x7;
	s21 =	simm.s32 $0x8;
	v26 =	vadd.s32 v15, v20;
	v38 =	vand.u32 $0x400, v42;
	[tilespmem:v43+s13+$0x0] =	vst.idx.msk $0xffff, v41;
	v31 =	vor.u32 v13, v31  }
.LBB2_2:
0x56: {  	p0 =	slt.u32 s21, $0xFC;
	s23 =	sadd.s32 $0x1, s20;
	v36 =	vor.u32 v36, v38;
	v38 =	vadd.s32 s22, v0;
	v39 =	vld.idx.msk [tilespmem:v27+s11+$0x0], $0xffff;
	v40 =	vor.u32 v5, v7;
	v27 =	vmovc v21;
	s20 =	smov.u32 s21  }
0x57: {  	v21 =	vadd.s32 s23, v0;
	v41 =	vor.u32 v1, v36;
	v42 =	vor.u32 $0xFFFFFF00, v38;
	[tilespmem:v28+s13+$0x0] =	vst.idx.msk $0xffff, v32  }
0x58: {  	v28 =	vor.u32 $0xFFFFFF00, v21;
	v32 =	vshll.u32 v21, $0x3;
	v43 =	vadd.s32 v17, v42;
	[tilespmem:v34+s13+$0x0] =	vst.idx.msk $0xffff, v29  }
0x59: {  	v29 =	vadd.s32 v17, v28;
	v34 =	vand.u32 $0xFFFFFF80, v43;
	v43 =	vand.u32 $0x7F, v38;
	v33 =	vld.idx.msk [tilespmem:v33+s11+$0x0], $0xffff;
	[tilespmem:v35+s13+$0x0] =	vst.idx.msk $0xffff, v30  }
0x5a: {  	v45 =	vadd.s32 v16, v9;
	v30 =	vor.u32 v43, v34;
	v34 =	vor.u32 v5, v12;
	v31 =	vld.idx.msk [tilespmem:v31+s11+$0x0], $0xffff  }
0x5b: {  	v44 =	vor.u32 v5, v11;
	v9 =	vmovc v42;
	v35 =	vld.idx.msk [tilespmem:v37+s11+$0x0], $0xffff;
	v37 =	vadd.s32 v16, v8;
	v8 =	vand.u32 $0xFFFFFF80, v45  }
0x5c: {  	v21 =	vand.u32 $0x7F, v21;
	v32 =	vand.u32 $0x400, v32;
	v24 =	vld.idx.msk [tilespmem:v24+s11+$0x0], $0xffff;
	[tilespmem:v40+s13+$0x0] =	vst.idx.msk $0xffff, v39;
	v13 =	vor.u32 v13, v8  }
0x5d: {  	v32 =	vor.u32 v21, v32;
	v40 =	vshll.u32 v38, $0x3;
	v21 =	vld.idx.msk [tilespmem:v25+s11+$0x0], $0xffff;
	v25 =	vor.u32 v6, v7;
	v7 =	vmovc v36  }
0x5e: {  	v38 =	vadd.s32 v15, v28;
	v36 =	vor.u32 v1, v32;
	v39 =	vand.u32 $0x400, v40;
	v29 =	vld.idx.msk [tilespmem:v29+s11+$0x0], $0xffff;
	v8 =	vmovc v28  }
0x5f: {  	v28 =	vld.idx.msk [tilespmem:v30+s11+$0x0], $0xffff;
	v30 =	vor.u32 v43, v39;
	v39 =	vadd.s32 v15, v9;
	[tilespmem:v34+s13+$0x0] =	vst.idx.msk $0xffff, v33  }
0x60: {  	v33 =	vadd.s32 s21, v0;
	v34 =	vor.u32 v1, v30;
	v39 =	vand.u32 $0xFFFFFF80, v39;
	v37 =	vld.idx.msk [tilespmem:v37+s11+$0x0], $0xffff;
	[tilespmem:v44+s13+$0x0] =	vst.idx.msk $0xffff, v31  }
0x61: {  	v12 =	vor.u32 v6, v12;
	[tilespmem:v41+s13+$0x0] =	vst.idx.msk $0xffff, v35;
	v31 =	vor.u32 v43, v39;
	v35 =	vld.idx.msk [tilespmem:v13+s11+$0x0], $0xffff  }
0x62: {  	v11 =	vor.u32 v6, v11;
	v39 =	vor.u32 $0xFFFFFF00, v33;
	v13 =	vmov v43;
	v26 =	vld.idx.msk [tilespmem:v26+s11+$0x0], $0xffff;
	[tilespmem:v22+s13+$0x0] =	vst.idx.msk $0xffff, v24  }
0x63: {  	v40 =	vor.u32 v2, v7;
	v22 =	vadd.s32 v17, v39;
	v24 =	vshll.u32 v33, $0x3;
	[tilespmem:v25+s13+$0x0] =	vst.idx.msk $0xffff, v21  }
0x64: {  	v25 =	vadd.s32 v18, v14;
	v23 =	vld.idx.msk [tilespmem:v23+s11+$0x0], $0xffff;
	[tilespmem:v36+s13+$0x0] =	vst.idx.msk $0xffff, v29;
	v29 =	vadd.s32 v10, v20  }
0x65: {  	v21 =	vand.u32 $0x7F, v33;
	v24 =	vand.u32 $0x400, v24;
	v33 =	vor.u32 v3, v27;
	v36 =	vld.idx.msk [tilespmem:v38+s11+$0x0], $0xffff;
	[tilespmem:v34+s13+$0x0] =	vst.idx.msk $0xffff, v28  }
0x66: {  	v28 =	vor.u32 v2, v32;
	v34 =	vadd.s32 v10, v9;
	v31 =	vld.idx.msk [tilespmem:v31+s11+$0x0], $0xffff;
	[tilespmem:v12+s13+$0x0] =	vst.idx.msk $0xffff, v37  }
0x67: {  	v38 =	vor.u32 v2, v30;
	v37 =	vadd.s32 v10, v8;
	v34 =	vand.u32 $0xFFFFFF80, v34;
	[tilespmem:v11+s13+$0x0] =	vst.idx.msk $0xffff, v35  }
0x68: {  	v21 =	vor.u32 v21, v24;
	v24 =	vor.u32 v13, v34;
	v22 =	vld.idx.msk [tilespmem:v22+s11+$0x0], $0xffff;
	[tilespmem:v40+s13+$0x0] =	vst.idx.msk $0xffff, v26  }
0x69: {  	v12 =	vmov v32;
	v11 =	vmov v30;
	v26 =	vor.u32 v1, v21;
	v29 =	vld.idx.msk [tilespmem:v29+s11+$0x0], $0xffff  }
0x6a: {  	v30 =	vadd.s32 v15, v39;
	[tilespmem:v33+s13+$0x0] =	vst.idx.msk $0xffff, v23;
	v23 =	vor.u32 v3, v7  }
0x6b: {  	v25 =	vld.idx.msk [tilespmem:v25+s11+$0x0], $0xffff;
	[tilespmem:v28+s13+$0x0] =	vst.idx.msk $0xffff, v36;
	v28 =	vadd.s32 v18, v20  }
0x6c: {  	v32 =	vor.u32 v4, v27;
	v33 =	vld.idx.msk [tilespmem:v37+s11+$0x0], $0xffff;
	[tilespmem:v38+s13+$0x0] =	vst.idx.msk $0xffff, v31  }
0x6d: {  	v34 =	vor.u32 v3, v12;
	v31 =	vadd.s32 v19, v14;
	v35 =	vld.idx.msk [tilespmem:v24+s11+$0x0], $0xffff;
	v24 =	vadd.s32 v18, v9  }
0x6e: {  	v37 =	vor.u32 v3, v11;
	[tilespmem:v26+s13+$0x0] =	vst.idx.msk $0xffff, v22;
	v26 =	vadd.s32 v18, v8;
	v22 =	vand.u32 $0xFFFFFF80, v24  }
0x6f: {  	v24 =	vadd.s32 v16, v14;
	v38 =	vld.idx.msk [tilespmem:v30+s11+$0x0], $0xffff;
	[tilespmem:v23+s13+$0x0] =	vst.idx.msk $0xffff, v29;
	v30 =	vor.u32 v13, v22  }
0x70: {  	s22 =	sadd.s32 $0x2, s21;
	v40 =	vor.u32 v2, v21;
	v23 =	vadd.s32 v10, v39;
	v22 =	vor.u32 v6, v27;
	v41 =	vld.idx.msk [tilespmem:v28+s11+$0x0], $0xffff  }
0x71: {  	v42 =	vadd.s32 s22, v0;
	v43 =	vor.u32 v4, v7;
	v28 =	vor.u32 v5, v27;
	[tilespmem:v32+s13+$0x0] =	vst.idx.msk $0xffff, v25  }
.Ltmp0:
0x72: {  	v36 =	vand.u32 $0x7F, v42;
	v14 =	vmov v39;
	v27 =	vadd.s32 v19, v20;
	v32 =	vld.idx.msk [tilespmem:v31+s11+$0x0], $0xffff;
	[tilespmem:v34+s13+$0x0] =	vst.idx.msk $0xffff, v33;
	(pc) =	sbr.rel @p0 .LBB2_2-.Ltmp0, $4  }
0x73: {  	v25 =	vadd.s32 v16, v20;
	v20 =	vor.u32 $0xFFFFFF00, v42;
	v31 =	vshll.u32 v42, $0x3;
	v29 =	vld.idx.msk [tilespmem:v26+s11+$0x0], $0xffff;
	[tilespmem:v37+s13+$0x0] =	vst.idx.msk $0xffff, v35  }
0x74: {  	v34 =	vor.u32 v4, v12;
	v26 =	vadd.s32 v15, v20;
	v37 =	vadd.s32 v19, v9;
	v30 =	vld.idx.msk [tilespmem:v30+s11+$0x0], $0xffff  }
0x75: {  	v33 =	vadd.s32 v19, v8;
	v35 =	vor.u32 v4, v11;
	v39 =	vand.u32 $0xFFFFFF80, v37;
	[tilespmem:v40+s13+$0x0] =	vst.idx.msk $0xffff, v38  }
0x76: {  	s22 =	sadd.s32 $0x3, s20;
	s21 =	sadd.s32 $0x4, s21;
	v37 =	vadd.s32 v17, v20;
	v38 =	vand.u32 $0x400, v31;
	v31 =	vor.u32 v13, v39;
	[tilespmem:v43+s13+$0x0] =	vst.idx.msk $0xffff, v41  }
0x77: {  	s20 =	sadd.s32 $0x1, s20;
	v39 =	vadd.s32 s22, v0  }
0x78: {  	v40 =	vadd.s32 s20, v0;
	v41 =	vor.u32 $0xFFFFFF00, v39  }
0x79: {  	v42 =	vor.u32 $0xFFFFFF00, v40;
	v43 =	vadd.s32 v17, v41  }
0x7a: {  	v44 =	vand.u32 $0x7F, v39;
	v17 =	vadd.s32 v17, v42;
	v43 =	vand.u32 $0xFFFFFF80, v43  }
0x7b: {  	v53 =	vor.u32 v44, v43  }
0x7c: {  	v36 =	vor.u32 v36, v38;
	v45 =	vshll.u32 v40, $0x3  }
0x7d: {  	[tilespmem:v28+s13+$0x0] =	vst.idx.msk $0xffff, v32;
	v39 =	vshll.u32 v39, $0x3;
	v40 =	vand.u32 $0x7F, v40;
	v45 =	vand.u32 $0x400, v45  }
0x7e: {  	v28 =	vld.idx.msk [tilespmem:v37+s11+$0x0], $0xffff;
	v54 =	vor.u32 v1, v36;
	v56 =	vand.u32 $0x400, v39;
	v55 =	vor.u32 v40, v45  }
0x7f: {  	v58 =	vadd.s32 v15, v41;
	v37 =	vor.u32 v44, v56;
	v57 =	vor.u32 v1, v55;
	v17 =	vld.idx.msk [tilespmem:v17+s11+$0x0], $0xffff  }
0x80: {  	v15 =	vadd.s32 v15, v42;
	v59 =	vor.u32 v1, v37;
	v40 =	vand.u32 $0xFFFFFF80, v58;
	v38 =	vld.idx.msk [tilespmem:v53+s11+$0x0], $0xffff  }
0x81: {  	[tilespmem:v34+s13+$0x0] =	vst.idx.msk $0xffff, v29;
	v29 =	vor.u32 v44, v40  }
0x82: {  	v27 =	vld.idx.msk [tilespmem:v27+s11+$0x0], $0xffff;
	[tilespmem:v35+s13+$0x0] =	vst.idx.msk $0xffff, v30;
	v30 =	vor.u32 v5, v7  }
0x83: {  	[tilespmem:v54+s13+$0x0] =	vst.idx.msk $0xffff, v28  }
0x84: {  	v62 =	vadd.s32 v10, v41;
	v28 =	vor.u32 v2, v36;
	v26 =	vld.idx.msk [tilespmem:v26+s11+$0x0], $0xffff;
	[tilespmem:v57+s13+$0x0] =	vst.idx.msk $0xffff, v17  }
0x85: {  	v61 =	vor.u32 v2, v55;
	v17 =	vadd.s32 v10, v20;
	v15 =	vld.idx.msk [tilespmem:v15+s11+$0x0], $0xffff;
	[tilespmem:v59+s13+$0x0] =	vst.idx.msk $0xffff, v38  }
0x86: {  	v63 =	vor.u32 v2, v37;
	v10 =	vadd.s32 v10, v42;
	v38 =	vand.u32 $0xFFFFFF80, v62;
	v29 =	vld.idx.msk [tilespmem:v29+s11+$0x0], $0xffff  }
0x87: {  	v24 =	vld.idx.msk [tilespmem:v24+s11+$0x0], $0xffff;
	[tilespmem:v30+s13+$0x0] =	vst.idx.msk $0xffff, v27;
	v27 =	vor.u32 v44, v38  }
0x88: {  	v23 =	vld.idx.msk [tilespmem:v23+s11+$0x0], $0xffff;
	v43 =	vor.u32 v3, v21;
	v45 =	vor.u32 v3, v37  }
0x89: {  	v40 =	vadd.s32 v18, v14;
	v30 =	vld.idx.msk [tilespmem:v31+s11+$0x0], $0xffff;
	v31 =	vor.u32 v5, v11;
	[tilespmem:v28+s13+$0x0] =	vst.idx.msk $0xffff, v26  }
0x8a: {  	v26 =	vor.u32 v3, v36;
	v28 =	vor.u32 v3, v55;
	v17 =	vld.idx.msk [tilespmem:v17+s11+$0x0], $0xffff;
	[tilespmem:v61+s13+$0x0] =	vst.idx.msk $0xffff, v15  }
0x8b: {  	v15 =	vadd.s32 v18, v20;
	v10 =	vld.idx.msk [tilespmem:v10+s11+$0x0], $0xffff;
	[tilespmem:v63+s13+$0x0] =	vst.idx.msk $0xffff, v29;
	v29 =	vadd.s32 v18, v41  }
0x8c: {  	[tilespmem:v22+s13+$0x0] =	vst.idx.msk $0xffff, v24;
	v18 =	vadd.s32 v18, v42;
	v27 =	vld.idx.msk [tilespmem:v27+s11+$0x0], $0xffff;
	v29 =	vand.u32 $0xFFFFFF80, v29  }
0x8d: {  	[tilespmem:v43+s13+$0x0] =	vst.idx.msk $0xffff, v23;
	v29 =	vor.u32 v44, v29  }
0x8e: {  	v60 =	vor.u32 v5, v12;
	v9 =	vadd.s32 v16, v9;
	v33 =	vld.idx.msk [tilespmem:v33+s11+$0x0], $0xffff;
	[tilespmem:v31+s13+$0x0] =	vst.idx.msk $0xffff, v30  }
0x8f: {  	v23 =	vld.idx.msk [tilespmem:v40+s11+$0x0], $0xffff;
	v30 =	vor.u32 v4, v21;
	v31 =	vadd.s32 v19, v14;
	[tilespmem:v26+s13+$0x0] =	vst.idx.msk $0xffff, v17  }
0x90: {  	v17 =	vor.u32 v4, v36;
	v26 =	vor.u32 v4, v55;
	v15 =	vld.idx.msk [tilespmem:v15+s11+$0x0], $0xffff;
	[tilespmem:v28+s13+$0x0] =	vst.idx.msk $0xffff, v10  }
0x91: {  	v10 =	vadd.s32 v19, v20;
	v18 =	vld.idx.msk [tilespmem:v18+s11+$0x0], $0xffff;
	[tilespmem:v45+s13+$0x0] =	vst.idx.msk $0xffff, v27;
	v27 =	vadd.s32 v19, v41  }
0x92: {  	v19 =	vadd.s32 v19, v42;
	v28 =	vld.idx.msk [tilespmem:v29+s11+$0x0], $0xffff;
	v29 =	vor.u32 v4, v37;
	v27 =	vand.u32 $0xFFFFFF80, v27  }
0x93: {  	v8 =	vadd.s32 v16, v8;
	v9 =	vand.u32 $0xFFFFFF80, v9;
	[tilespmem:v60+s13+$0x0] =	vst.idx.msk $0xffff, v33;
	v22 =	vor.u32 v44, v27  }
0x94: {  	v9 =	vor.u32 v13, v9;
	v7 =	vor.u32 v6, v7;
	v13 =	vld.idx.msk [tilespmem:v25+s11+$0x0], $0xffff;
	[tilespmem:v30+s13+$0x0] =	vst.idx.msk $0xffff, v23  }
0x95: {  	v14 =	vadd.s32 v16, v14;
	v23 =	vor.u32 v5, v21;
	v24 =	vld.idx.msk [tilespmem:v31+s11+$0x0], $0xffff;
	[tilespmem:v17+s13+$0x0] =	vst.idx.msk $0xffff, v15  }
0x96: {  	v15 =	vadd.s32 v16, v20;
	v17 =	vor.u32 v5, v36;
	v10 =	vld.idx.msk [tilespmem:v10+s11+$0x0], $0xffff;
	[tilespmem:v26+s13+$0x0] =	vst.idx.msk $0xffff, v18  }
0x97: {  	v20 =	vadd.s32 v16, v41;
	v18 =	vld.idx.msk [tilespmem:v19+s11+$0x0], $0xffff;
	[tilespmem:v29+s13+$0x0] =	vst.idx.msk $0xffff, v28;
	v19 =	vor.u32 v5, v55  }
0x98: {  	v25 =	vor.u32 v5, v37;
	v16 =	vadd.s32 v16, v42;
	v20 =	vand.u32 $0xFFFFFF80, v20;
	v22 =	vld.idx.msk [tilespmem:v22+s11+$0x0], $0xffff  }
0x99: {  	v12 =	vor.u32 v6, v12;
	v8 =	vld.idx.msk [tilespmem:v8+s11+$0x0], $0xffff;
	[tilespmem:v7+s13+$0x0] =	vst.idx.msk $0xffff, v13;
	v7 =	vor.u32 v44, v20  }
0x9a: {  	v11 =	vor.u32 v6, v11;
	v9 =	vld.idx.msk [tilespmem:v9+s11+$0x0], $0xffff;
	[tilespmem:v23+s13+$0x0] =	vst.idx.msk $0xffff, v24  }
0x9b: {  	v13 =	vor.u32 v6, v21;
	v14 =	vld.idx.msk [tilespmem:v14+s11+$0x0], $0xffff;
	[tilespmem:v17+s13+$0x0] =	vst.idx.msk $0xffff, v10  }
0x9c: {  	v10 =	vld.idx.msk [tilespmem:v15+s11+$0x0], $0xffff;
	v15 =	vor.u32 v6, v36;
	[tilespmem:v19+s13+$0x0] =	vst.idx.msk $0xffff, v18  }
0x9d: {  	v17 =	vor.u32 v6, v55;
	v16 =	vld.idx.msk [tilespmem:v16+s11+$0x0], $0xffff;
	[tilespmem:v25+s13+$0x0] =	vst.idx.msk $0xffff, v22  }
0x9e: {  	[tilespmem:v12+s13+$0x0] =	vst.idx.msk $0xffff, v8;
	v8 =	vor.u32 v6, v37;
	v7 =	vld.idx.msk [tilespmem:v7+s11+$0x0], $0xffff  }
0x9f: {  	[tilespmem:v11+s13+$0x0] =	vst.idx.msk $0xffff, v9  }
0xa0: {  	[tilespmem:v13+s13+$0x0] =	vst.idx.msk $0xffff, v14  }
0xa1: {  	[tilespmem:v15+s13+$0x0] =	vst.idx.msk $0xffff, v10  }
0xa2: {  	[tilespmem:v17+s13+$0x0] =	vst.idx.msk $0xffff, v16  }
0xa3: {  	s28 =	simm.s32 $0x0;
	[tilespmem:v8+s13+$0x0] =	vst.idx.msk $0xffff, v7  }
0xa4: {  	[hbm4b:s7+s28] =	stream.linear.scatter [tilespmem:s13], [sflag:$0x1], $0x6000, $0x38;
	[tilespmem:$0x1A480] =	vst v63  }
0xa5: {  	v7 =	vld [tilespmem:$0x60];
	_ =	sdelay $0x3  }
0xa6: {  	v9 =	vadd.s32 s28, v0  }
0xa7: {  	v20 =	vor.u32 $0xFFFFFF00, v9;
	v8 =	vld [tilespmem:$0x70];
	v17 =	vshll.u32 v7, $0x8  }
0xa8: {  	v7 =	vld [tilespmem:$0x80];
	v11 =	vadd.s32 v17, v20;
	_ =	sdelay $0x1  }
0xa9: {  	v10 =	vshll.u32 v9, $0x3  }
0xaa: {  	s21 =	simm.s32 $0x1;
	v9 =	vand.u32 $0x7F, v9;
	v10 =	vand.u32 $0x400, v10  }
0xab: {  	s29 =	simm.s32 $0x2;
	v23 =	vadd.s32 s21, v0;
	v25 =	vor.u32 v9, v10;
	v15 =	vshll.u32 v8, $0x8  }
0xac: {  	s30 =	simm.s32 $0x3;
	v8 =	vadd.s32 s29, v0;
	v10 =	vshll.u32 v7, $0x8;
	v7 =	vor.u32 v1, v25;
	v11 =	vld.idx.msk [tilespmem:v11+s11+$0x0], $0xffff  }
0xad: {  	v19 =	vadd.s32 s30, v0;
	v12 =	vadd.s32 v15, v20;
	v26 =	vor.u32 $0xFFFFFF00, v8  }
0xae: {  	v9 =	vor.u32 $0xFFFFFF00, v19;
	v18 =	vand.u32 $0x7F, v8;
	v22 =	vadd.s32 v17, v26  }
0xaf: {  	v21 =	vld [tilespmem:$0x90];
	v27 =	vshll.u32 v8, $0x3;
	v8 =	vor.u32 $0xFFFFFF00, v23;
	v13 =	vadd.s32 v17, v9  }
0xb0: {  	v14 =	vor.u32 v2, v25;
	v24 =	vld [tilespmem:$0xA0];
	v29 =	vadd.s32 v17, v8;
	v30 =	vand.u32 $0xFFFFFF80, v13  }
0xb1: {  	v28 =	vld [tilespmem:$0xB0];
	v13 =	vand.u32 $0x7F, v19;
	v46 =	vadd.s32 v15, v8;
	[tilespmem:v7+s14+$0x0] =	vst.idx.msk $0xffff, v11;
	v7 =	vand.u32 $0x400, v27  }
0xb2: {  	v11 =	vshll.u32 v23, $0x3;
	v27 =	vor.u32 v13, v30;
	v30 =	vld.idx.msk [tilespmem:v12+s11+$0x0], $0xffff;
	v7 =	vor.u32 v18, v7  }
0xb3: {  	v22 =	vld.idx.msk [tilespmem:v22+s11+$0x0], $0xffff;
	v12 =	vand.u32 $0x7F, v23;
	v11 =	vand.u32 $0x400, v11;
	v23 =	vor.u32 v1, v7  }
0xb4: {  	v12 =	vor.u32 v12, v11;
	v11 =	vshll.u32 v19, $0x3;
	v19 =	vadd.s32 v15, v26  }
0xb5: {  	v16 =	vadd.s32 v10, v20;
	v29 =	vld.idx.msk [tilespmem:v29+s11+$0x0], $0xffff;
	v31 =	vor.u32 v1, v12;
	v11 =	vand.u32 $0x400, v11  }
0xb6: {  	s20 =	simm.s32 $0x4;
	v50 =	vadd.s32 v10, v26;
	v18 =	vadd.s32 v15, v9;
	v11 =	vor.u32 v13, v11  }
0xb7: {  	v47 =	vadd.s32 s20, v0;
	v18 =	vand.u32 $0xFFFFFF80, v18;
	v27 =	vld.idx.msk [tilespmem:v27+s11+$0x0], $0xffff;
	v48 =	vor.u32 v1, v11;
	[tilespmem:v14+s14+$0x0] =	vst.idx.msk $0xffff, v30  }
0xb8: {  	v51 =	vadd.s32 v10, v9;
	v30 =	vor.u32 v13, v18;
	v14 =	vor.u32 $0xFFFFFF00, v47;
	[tilespmem:v23+s14+$0x0] =	vst.idx.msk $0xffff, v22  }
0xb9: {  	v52 =	vadd.s32 v10, v8;
	v22 =	vadd.s32 v17, v14;
	v23 =	vor.u32 v2, v7;
	v19 =	vld.idx.msk [tilespmem:v19+s11+$0x0], $0xffff  }
0xba: {  	v18 =	vshll.u32 v21, $0x8;
	v16 =	vld.idx.msk [tilespmem:v16+s11+$0x0], $0xffff;
	[tilespmem:v31+s14+$0x0] =	vst.idx.msk $0xffff, v29;
	v31 =	vor.u32 v3, v25  }
0xbb: {  	v33 =	vand.u32 $0xFFFFFF80, v51;
	v21 =	vshll.u32 v47, $0x3;
	v49 =	vadd.s32 v18, v20  }
0xbc: {  	v21 =	vand.u32 $0x400, v21;
	v29 =	vand.u32 $0x7F, v47;
	v32 =	vld.idx.msk [tilespmem:v46+s11+$0x0], $0xffff;
	[tilespmem:v48+s14+$0x0] =	vst.idx.msk $0xffff, v27;
	v27 =	vor.u32 v2, v12  }
0xbd: {  	v56 =	vor.u32 v3, v12;
	v53 =	vor.u32 v2, v11;
	v21 =	vor.u32 v29, v21;
	v30 =	vld.idx.msk [tilespmem:v30+s11+$0x0], $0xffff  }
0xbe: {  	v29 =	vor.u32 v13, v33;
	v22 =	vld.idx.msk [tilespmem:v22+s11+$0x0], $0xffff;
	[tilespmem:v23+s14+$0x0] =	vst.idx.msk $0xffff, v19;
	v23 =	vor.u32 v1, v21  }
0xbf: {  	v58 =	vor.u32 v3, v11;
	[tilespmem:v31+s14+$0x0] =	vst.idx.msk $0xffff, v16;
	v31 =	vor.u32 v3, v7;
	v54 =	vld.idx.msk [tilespmem:v50+s11+$0x0], $0xffff  }
0xc0: {  	v55 =	vadd.s32 v15, v14;
	v19 =	vshll.u32 v24, $0x8;
	v16 =	vshll.u32 v28, $0x8  }
0xc1: {  	v28 =	vor.u32 v4, v25;
	v35 =	vld.idx.msk [tilespmem:v49+s11+$0x0], $0xffff;
	[tilespmem:v27+s14+$0x0] =	vst.idx.msk $0xffff, v32;
	v27 =	vadd.s32 v18, v26  }
0xc2: {  	s31 =	simm.s32 $0x6;
	v24 =	vadd.s32 v18, v9;
	v34 =	vld.idx.msk [tilespmem:v52+s11+$0x0], $0xffff;
	[tilespmem:v53+s14+$0x0] =	vst.idx.msk $0xffff, v30;
	v30 =	vadd.s32 v19, v20  }
0xc3: {  	v62 =	vadd.s32 s31, v0;
	v57 =	vld.idx.msk [tilespmem:v29+s11+$0x0], $0xffff;
	v29 =	vadd.s32 v18, v8;
	[tilespmem:v23+s14+$0x0] =	vst.idx.msk $0xffff, v22;
	v22 =	vand.u32 $0xFFFFFF80, v24  }
0xc4: {  	v42 =	vshll.u32 v62, $0x3;
	[tilespmem:v31+s14+$0x0] =	vst.idx.msk $0xffff, v54;
	v31 =	vor.u32 v13, v22  }
0xc5: {  	v63 =	vor.u32 v4, v7;
	v60 =	vor.u32 v2, v21;
	v33 =	vadd.s32 v19, v8;
	v59 =	vld.idx.msk [tilespmem:v55+s11+$0x0], $0xffff  }
0xc6: {  	v24 =	vadd.s32 v16, v20;
	v23 =	vadd.s32 v10, v14;
	[tilespmem:v28+s14+$0x0] =	vst.idx.msk $0xffff, v35;
	v61 =	vld.idx.msk [tilespmem:v27+s11+$0x0], $0xffff  }
0xc7: {  	v38 =	vand.u32 $0x400, v42;
	v20 =	vor.u32 $0xFFFFFF00, v62;
	v27 =	vadd.s32 v19, v26;
	v32 =	vld.idx.msk [tilespmem:v30+s11+$0x0], $0xffff;
	[tilespmem:v56+s14+$0x0] =	vst.idx.msk $0xffff, v34  }
0xc8: {  	v22 =	vor.u32 v6, v25;
	v28 =	vor.u32 v5, v25;
	v29 =	vld.idx.msk [tilespmem:v29+s11+$0x0], $0xffff;
	[tilespmem:v58+s14+$0x0] =	vst.idx.msk $0xffff, v57  }
0xc9: {  	v25 =	vadd.s32 v16, v26;
	v34 =	vor.u32 v4, v12;
	v30 =	vld.idx.msk [tilespmem:v31+s11+$0x0], $0xffff;
	v31 =	vadd.s32 v19, v9  }
0xca: {  	v35 =	vor.u32 v4, v11;
	v37 =	vadd.s32 v17, v20;
	[tilespmem:v60+s14+$0x0] =	vst.idx.msk $0xffff, v59;
	v31 =	vand.u32 $0xFFFFFF80, v31  }
0xcb: {  	s22 =	simm.s32 $0x7;
	s21 =	simm.s32 $0x8;
	v36 =	vand.u32 $0x7F, v62;
	v26 =	vadd.s32 v15, v20;
	[tilespmem:v63+s14+$0x0] =	vst.idx.msk $0xffff, v61;
	v31 =	vor.u32 v13, v31  }
.LBB2_4:
0xcc: {  	p0 =	slt.u32 s21, $0xFC;
	s23 =	sadd.s32 $0x1, s20;
	v36 =	vor.u32 v36, v38;
	v38 =	vadd.s32 s22, v0;
	v39 =	vld.idx.msk [tilespmem:v27+s11+$0x0], $0xffff;
	v40 =	vor.u32 v5, v7;
	v27 =	vmovc v21;
	s20 =	smov.u32 s21  }
0xcd: {  	v21 =	vadd.s32 s23, v0;
	v41 =	vor.u32 v1, v36;
	v42 =	vor.u32 $0xFFFFFF00, v38;
	[tilespmem:v28+s14+$0x0] =	vst.idx.msk $0xffff, v32  }
0xce: {  	v28 =	vor.u32 $0xFFFFFF00, v21;
	v32 =	vshll.u32 v21, $0x3;
	v43 =	vadd.s32 v17, v42;
	[tilespmem:v34+s14+$0x0] =	vst.idx.msk $0xffff, v29  }
0xcf: {  	v29 =	vadd.s32 v17, v28;
	v34 =	vand.u32 $0xFFFFFF80, v43;
	v43 =	vand.u32 $0x7F, v38;
	v33 =	vld.idx.msk [tilespmem:v33+s11+$0x0], $0xffff;
	[tilespmem:v35+s14+$0x0] =	vst.idx.msk $0xffff, v30  }
0xd0: {  	v45 =	vadd.s32 v16, v9;
	v30 =	vor.u32 v43, v34;
	v34 =	vor.u32 v5, v12;
	v31 =	vld.idx.msk [tilespmem:v31+s11+$0x0], $0xffff  }
0xd1: {  	v44 =	vor.u32 v5, v11;
	v9 =	vmovc v42;
	v35 =	vld.idx.msk [tilespmem:v37+s11+$0x0], $0xffff;
	v37 =	vadd.s32 v16, v8;
	v8 =	vand.u32 $0xFFFFFF80, v45  }
0xd2: {  	v21 =	vand.u32 $0x7F, v21;
	v32 =	vand.u32 $0x400, v32;
	v24 =	vld.idx.msk [tilespmem:v24+s11+$0x0], $0xffff;
	[tilespmem:v40+s14+$0x0] =	vst.idx.msk $0xffff, v39;
	v13 =	vor.u32 v13, v8  }
0xd3: {  	v32 =	vor.u32 v21, v32;
	v40 =	vshll.u32 v38, $0x3;
	v21 =	vld.idx.msk [tilespmem:v25+s11+$0x0], $0xffff;
	v25 =	vor.u32 v6, v7;
	v7 =	vmovc v36  }
0xd4: {  	v38 =	vadd.s32 v15, v28;
	v36 =	vor.u32 v1, v32;
	v39 =	vand.u32 $0x400, v40;
	v29 =	vld.idx.msk [tilespmem:v29+s11+$0x0], $0xffff;
	v8 =	vmovc v28  }
0xd5: {  	v28 =	vld.idx.msk [tilespmem:v30+s11+$0x0], $0xffff;
	v30 =	vor.u32 v43, v39;
	v39 =	vadd.s32 v15, v9;
	[tilespmem:v34+s14+$0x0] =	vst.idx.msk $0xffff, v33  }
0xd6: {  	v33 =	vadd.s32 s21, v0;
	v34 =	vor.u32 v1, v30;
	v39 =	vand.u32 $0xFFFFFF80, v39;
	v37 =	vld.idx.msk [tilespmem:v37+s11+$0x0], $0xffff;
	[tilespmem:v44+s14+$0x0] =	vst.idx.msk $0xffff, v31  }
0xd7: {  	v12 =	vor.u32 v6, v12;
	[tilespmem:v41+s14+$0x0] =	vst.idx.msk $0xffff, v35;
	v31 =	vor.u32 v43, v39;
	v35 =	vld.idx.msk [tilespmem:v13+s11+$0x0], $0xffff  }
0xd8: {  	v11 =	vor.u32 v6, v11;
	v39 =	vor.u32 $0xFFFFFF00, v33;
	v13 =	vmov v43;
	v26 =	vld.idx.msk [tilespmem:v26+s11+$0x0], $0xffff;
	[tilespmem:v22+s14+$0x0] =	vst.idx.msk $0xffff, v24  }
0xd9: {  	v40 =	vor.u32 v2, v7;
	v22 =	vadd.s32 v17, v39;
	v24 =	vshll.u32 v33, $0x3;
	[tilespmem:v25+s14+$0x0] =	vst.idx.msk $0xffff, v21  }
0xda: {  	v25 =	vadd.s32 v18, v14;
	v23 =	vld.idx.msk [tilespmem:v23+s11+$0x0], $0xffff;
	[tilespmem:v36+s14+$0x0] =	vst.idx.msk $0xffff, v29;
	v29 =	vadd.s32 v10, v20  }
0xdb: {  	v21 =	vand.u32 $0x7F, v33;
	v24 =	vand.u32 $0x400, v24;
	v33 =	vor.u32 v3, v27;
	v36 =	vld.idx.msk [tilespmem:v38+s11+$0x0], $0xffff;
	[tilespmem:v34+s14+$0x0] =	vst.idx.msk $0xffff, v28  }
0xdc: {  	v28 =	vor.u32 v2, v32;
	v34 =	vadd.s32 v10, v9;
	v31 =	vld.idx.msk [tilespmem:v31+s11+$0x0], $0xffff;
	[tilespmem:v12+s14+$0x0] =	vst.idx.msk $0xffff, v37  }
0xdd: {  	v38 =	vor.u32 v2, v30;
	v37 =	vadd.s32 v10, v8;
	v34 =	vand.u32 $0xFFFFFF80, v34;
	[tilespmem:v11+s14+$0x0] =	vst.idx.msk $0xffff, v35  }
0xde: {  	v21 =	vor.u32 v21, v24;
	v24 =	vor.u32 v13, v34;
	v22 =	vld.idx.msk [tilespmem:v22+s11+$0x0], $0xffff;
	[tilespmem:v40+s14+$0x0] =	vst.idx.msk $0xffff, v26  }
0xdf: {  	v12 =	vmov v32;
	v11 =	vmov v30;
	v26 =	vor.u32 v1, v21;
	v29 =	vld.idx.msk [tilespmem:v29+s11+$0x0], $0xffff  }
0xe0: {  	v30 =	vadd.s32 v15, v39;
	[tilespmem:v33+s14+$0x0] =	vst.idx.msk $0xffff, v23;
	v23 =	vor.u32 v3, v7  }
0xe1: {  	v25 =	vld.idx.msk [tilespmem:v25+s11+$0x0], $0xffff;
	[tilespmem:v28+s14+$0x0] =	vst.idx.msk $0xffff, v36;
	v28 =	vadd.s32 v18, v20  }
0xe2: {  	v32 =	vor.u32 v4, v27;
	v33 =	vld.idx.msk [tilespmem:v37+s11+$0x0], $0xffff;
	[tilespmem:v38+s14+$0x0] =	vst.idx.msk $0xffff, v31  }
0xe3: {  	v34 =	vor.u32 v3, v12;
	v31 =	vadd.s32 v19, v14;
	v35 =	vld.idx.msk [tilespmem:v24+s11+$0x0], $0xffff;
	v24 =	vadd.s32 v18, v9  }
0xe4: {  	v37 =	vor.u32 v3, v11;
	[tilespmem:v26+s14+$0x0] =	vst.idx.msk $0xffff, v22;
	v26 =	vadd.s32 v18, v8;
	v22 =	vand.u32 $0xFFFFFF80, v24  }
0xe5: {  	v24 =	vadd.s32 v16, v14;
	v38 =	vld.idx.msk [tilespmem:v30+s11+$0x0], $0xffff;
	[tilespmem:v23+s14+$0x0] =	vst.idx.msk $0xffff, v29;
	v30 =	vor.u32 v13, v22  }
0xe6: {  	s22 =	sadd.s32 $0x2, s21;
	v40 =	vor.u32 v2, v21;
	v23 =	vadd.s32 v10, v39;
	v22 =	vor.u32 v6, v27;
	v41 =	vld.idx.msk [tilespmem:v28+s11+$0x0], $0xffff  }
0xe7: {  	v42 =	vadd.s32 s22, v0;
	v43 =	vor.u32 v4, v7;
	v28 =	vor.u32 v5, v27;
	[tilespmem:v32+s14+$0x0] =	vst.idx.msk $0xffff, v25  }
.Ltmp1:
0xe8: {  	v36 =	vand.u32 $0x7F, v42;
	v14 =	vmov v39;
	v27 =	vadd.s32 v19, v20;
	v32 =	vld.idx.msk [tilespmem:v31+s11+$0x0], $0xffff;
	[tilespmem:v34+s14+$0x0] =	vst.idx.msk $0xffff, v33;
	(pc) =	sbr.rel @p0 .LBB2_4-.Ltmp1, $4  }
0xe9: {  	v25 =	vadd.s32 v16, v20;
	v20 =	vor.u32 $0xFFFFFF00, v42;
	v31 =	vshll.u32 v42, $0x3;
	v29 =	vld.idx.msk [tilespmem:v26+s11+$0x0], $0xffff;
	[tilespmem:v37+s14+$0x0] =	vst.idx.msk $0xffff, v35  }
0xea: {  	v34 =	vor.u32 v4, v12;
	v26 =	vadd.s32 v15, v20;
	v37 =	vadd.s32 v19, v9;
	v30 =	vld.idx.msk [tilespmem:v30+s11+$0x0], $0xffff  }
0xeb: {  	v33 =	vadd.s32 v19, v8;
	v35 =	vor.u32 v4, v11;
	v39 =	vand.u32 $0xFFFFFF80, v37;
	[tilespmem:v40+s14+$0x0] =	vst.idx.msk $0xffff, v38  }
0xec: {  	s22 =	sadd.s32 $0x3, s20;
	s21 =	sadd.s32 $0x4, s21;
	v37 =	vadd.s32 v17, v20;
	v38 =	vand.u32 $0x400, v31;
	v31 =	vor.u32 v13, v39;
	[tilespmem:v43+s14+$0x0] =	vst.idx.msk $0xffff, v41  }
0xed: {  	s20 =	sadd.s32 $0x1, s20;
	v39 =	vadd.s32 s22, v0  }
0xee: {  	v40 =	vadd.s32 s20, v0;
	v41 =	vor.u32 $0xFFFFFF00, v39  }
0xef: {  	v42 =	vor.u32 $0xFFFFFF00, v40;
	v43 =	vadd.s32 v17, v41  }
0xf0: {  	v44 =	vand.u32 $0x7F, v39;
	v17 =	vadd.s32 v17, v42;
	v43 =	vand.u32 $0xFFFFFF80, v43  }
0xf1: {  	v53 =	vor.u32 v44, v43  }
0xf2: {  	v36 =	vor.u32 v36, v38;
	v45 =	vshll.u32 v40, $0x3  }
0xf3: {  	[tilespmem:v28+s14+$0x0] =	vst.idx.msk $0xffff, v32;
	v39 =	vshll.u32 v39, $0x3;
	v40 =	vand.u32 $0x7F, v40;
	v45 =	vand.u32 $0x400, v45  }
0xf4: {  	v28 =	vld.idx.msk [tilespmem:v37+s11+$0x0], $0xffff;
	v54 =	vor.u32 v1, v36;
	v56 =	vand.u32 $0x400, v39;
	v55 =	vor.u32 v40, v45  }
0xf5: {  	v58 =	vadd.s32 v15, v41;
	v37 =	vor.u32 v44, v56;
	v57 =	vor.u32 v1, v55;
	v17 =	vld.idx.msk [tilespmem:v17+s11+$0x0], $0xffff  }
0xf6: {  	v15 =	vadd.s32 v15, v42;
	v59 =	vor.u32 v1, v37;
	v40 =	vand.u32 $0xFFFFFF80, v58;
	v38 =	vld.idx.msk [tilespmem:v53+s11+$0x0], $0xffff  }
0xf7: {  	[tilespmem:v34+s14+$0x0] =	vst.idx.msk $0xffff, v29;
	v29 =	vor.u32 v44, v40  }
0xf8: {  	v27 =	vld.idx.msk [tilespmem:v27+s11+$0x0], $0xffff;
	[tilespmem:v35+s14+$0x0] =	vst.idx.msk $0xffff, v30;
	v30 =	vor.u32 v5, v7  }
0xf9: {  	[tilespmem:v54+s14+$0x0] =	vst.idx.msk $0xffff, v28  }
0xfa: {  	v62 =	vadd.s32 v10, v41;
	v28 =	vor.u32 v2, v36;
	v26 =	vld.idx.msk [tilespmem:v26+s11+$0x0], $0xffff;
	[tilespmem:v57+s14+$0x0] =	vst.idx.msk $0xffff, v17  }
0xfb: {  	v61 =	vor.u32 v2, v55;
	v17 =	vadd.s32 v10, v20;
	v15 =	vld.idx.msk [tilespmem:v15+s11+$0x0], $0xffff;
	[tilespmem:v59+s14+$0x0] =	vst.idx.msk $0xffff, v38  }
0xfc: {  	v63 =	vor.u32 v2, v37;
	v10 =	vadd.s32 v10, v42;
	v38 =	vand.u32 $0xFFFFFF80, v62;
	v29 =	vld.idx.msk [tilespmem:v29+s11+$0x0], $0xffff  }
0xfd: {  	v24 =	vld.idx.msk [tilespmem:v24+s11+$0x0], $0xffff;
	[tilespmem:v30+s14+$0x0] =	vst.idx.msk $0xffff, v27;
	v27 =	vor.u32 v44, v38  }
0xfe: {  	v23 =	vld.idx.msk [tilespmem:v23+s11+$0x0], $0xffff;
	v43 =	vor.u32 v3, v21;
	v45 =	vor.u32 v3, v37  }
0xff: {  	v40 =	vadd.s32 v18, v14;
	v30 =	vld.idx.msk [tilespmem:v31+s11+$0x0], $0xffff;
	v31 =	vor.u32 v5, v11;
	[tilespmem:v28+s14+$0x0] =	vst.idx.msk $0xffff, v26  }
0x100: {  	v26 =	vor.u32 v3, v36;
	v28 =	vor.u32 v3, v55;
	v17 =	vld.idx.msk [tilespmem:v17+s11+$0x0], $0xffff;
	[tilespmem:v61+s14+$0x0] =	vst.idx.msk $0xffff, v15  }
0x101: {  	v15 =	vadd.s32 v18, v20;
	v10 =	vld.idx.msk [tilespmem:v10+s11+$0x0], $0xffff;
	[tilespmem:v63+s14+$0x0] =	vst.idx.msk $0xffff, v29;
	v29 =	vadd.s32 v18, v41  }
0x102: {  	[tilespmem:v22+s14+$0x0] =	vst.idx.msk $0xffff, v24;
	v18 =	vadd.s32 v18, v42;
	v27 =	vld.idx.msk [tilespmem:v27+s11+$0x0], $0xffff;
	v29 =	vand.u32 $0xFFFFFF80, v29  }
0x103: {  	[tilespmem:v43+s14+$0x0] =	vst.idx.msk $0xffff, v23;
	v29 =	vor.u32 v44, v29  }
0x104: {  	v60 =	vor.u32 v5, v12;
	v9 =	vadd.s32 v16, v9;
	v33 =	vld.idx.msk [tilespmem:v33+s11+$0x0], $0xffff;
	[tilespmem:v31+s14+$0x0] =	vst.idx.msk $0xffff, v30  }
0x105: {  	v23 =	vld.idx.msk [tilespmem:v40+s11+$0x0], $0xffff;
	v30 =	vor.u32 v4, v21;
	v31 =	vadd.s32 v19, v14;
	[tilespmem:v26+s14+$0x0] =	vst.idx.msk $0xffff, v17  }
0x106: {  	v17 =	vor.u32 v4, v36;
	v26 =	vor.u32 v4, v55;
	v15 =	vld.idx.msk [tilespmem:v15+s11+$0x0], $0xffff;
	[tilespmem:v28+s14+$0x0] =	vst.idx.msk $0xffff, v10  }
0x107: {  	v10 =	vadd.s32 v19, v20;
	v18 =	vld.idx.msk [tilespmem:v18+s11+$0x0], $0xffff;
	[tilespmem:v45+s14+$0x0] =	vst.idx.msk $0xffff, v27;
	v27 =	vadd.s32 v19, v41  }
0x108: {  	v19 =	vadd.s32 v19, v42;
	v28 =	vld.idx.msk [tilespmem:v29+s11+$0x0], $0xffff;
	v29 =	vor.u32 v4, v37;
	v27 =	vand.u32 $0xFFFFFF80, v27  }
0x109: {  	v8 =	vadd.s32 v16, v8;
	v9 =	vand.u32 $0xFFFFFF80, v9;
	[tilespmem:v60+s14+$0x0] =	vst.idx.msk $0xffff, v33;
	v22 =	vor.u32 v44, v27  }
0x10a: {  	v9 =	vor.u32 v13, v9;
	v7 =	vor.u32 v6, v7;
	v13 =	vld.idx.msk [tilespmem:v25+s11+$0x0], $0xffff;
	[tilespmem:v30+s14+$0x0] =	vst.idx.msk $0xffff, v23  }
0x10b: {  	v14 =	vadd.s32 v16, v14;
	v23 =	vor.u32 v5, v21;
	v24 =	vld.idx.msk [tilespmem:v31+s11+$0x0], $0xffff;
	[tilespmem:v17+s14+$0x0] =	vst.idx.msk $0xffff, v15  }
0x10c: {  	v15 =	vadd.s32 v16, v20;
	v17 =	vor.u32 v5, v36;
	v10 =	vld.idx.msk [tilespmem:v10+s11+$0x0], $0xffff;
	[tilespmem:v26+s14+$0x0] =	vst.idx.msk $0xffff, v18  }
0x10d: {  	v20 =	vadd.s32 v16, v41;
	v18 =	vld.idx.msk [tilespmem:v19+s11+$0x0], $0xffff;
	[tilespmem:v29+s14+$0x0] =	vst.idx.msk $0xffff, v28;
	v19 =	vor.u32 v5, v55  }
0x10e: {  	v25 =	vor.u32 v5, v37;
	v16 =	vadd.s32 v16, v42;
	v20 =	vand.u32 $0xFFFFFF80, v20;
	v22 =	vld.idx.msk [tilespmem:v22+s11+$0x0], $0xffff  }
0x10f: {  	v12 =	vor.u32 v6, v12;
	v8 =	vld.idx.msk [tilespmem:v8+s11+$0x0], $0xffff;
	[tilespmem:v7+s14+$0x0] =	vst.idx.msk $0xffff, v13;
	v7 =	vor.u32 v44, v20  }
0x110: {  	v11 =	vor.u32 v6, v11;
	v9 =	vld.idx.msk [tilespmem:v9+s11+$0x0], $0xffff;
	[tilespmem:v23+s14+$0x0] =	vst.idx.msk $0xffff, v24  }
0x111: {  	v13 =	vor.u32 v6, v21;
	v14 =	vld.idx.msk [tilespmem:v14+s11+$0x0], $0xffff;
	[tilespmem:v17+s14+$0x0] =	vst.idx.msk $0xffff, v10  }
0x112: {  	v10 =	vld.idx.msk [tilespmem:v15+s11+$0x0], $0xffff;
	v15 =	vor.u32 v6, v36;
	[tilespmem:v19+s14+$0x0] =	vst.idx.msk $0xffff, v18  }
0x113: {  	v17 =	vor.u32 v6, v55;
	v16 =	vld.idx.msk [tilespmem:v16+s11+$0x0], $0xffff;
	[tilespmem:v25+s14+$0x0] =	vst.idx.msk $0xffff, v22  }
0x114: {  	[tilespmem:v12+s14+$0x0] =	vst.idx.msk $0xffff, v8;
	v8 =	vor.u32 v6, v37;
	v7 =	vld.idx.msk [tilespmem:v7+s11+$0x0], $0xffff  }
0x115: {  	[tilespmem:v11+s14+$0x0] =	vst.idx.msk $0xffff, v9  }
0x116: {  	[tilespmem:v13+s14+$0x0] =	vst.idx.msk $0xffff, v14  }
0x117: {  	[tilespmem:v15+s14+$0x0] =	vst.idx.msk $0xffff, v10  }
0x118: {  	[tilespmem:v17+s14+$0x0] =	vst.idx.msk $0xffff, v16  }
0x119: {  	s28 =	simm.s32 $0x0;
	[tilespmem:v8+s14+$0x0] =	vst.idx.msk $0xffff, v7  }
0x11a: {  	[hbm4b:s8+s28] =	stream.linear.scatter [tilespmem:s14], [sflag:$0x2], $0x6000, $0x38;
	[tilespmem:$0x1A480] =	vst v63  }
0x11b: {  	v7 =	vld [tilespmem:$0xC0];
	_ =	sdelay $0x3  }
0x11c: {  	v9 =	vadd.s32 s28, v0  }
0x11d: {  	v20 =	vor.u32 $0xFFFFFF00, v9;
	v8 =	vld [tilespmem:$0xD0];
	v17 =	vshll.u32 v7, $0x8  }
0x11e: {  	v7 =	vld [tilespmem:$0xE0];
	v11 =	vadd.s32 v17, v20;
	_ =	sdelay $0x1  }
0x11f: {  	v10 =	vshll.u32 v9, $0x3  }
0x120: {  	s21 =	simm.s32 $0x1;
	v9 =	vand.u32 $0x7F, v9;
	v10 =	vand.u32 $0x400, v10  }
0x121: {  	s29 =	simm.s32 $0x2;
	v23 =	vadd.s32 s21, v0;
	v25 =	vor.u32 v9, v10;
	v15 =	vshll.u32 v8, $0x8  }
0x122: {  	s30 =	simm.s32 $0x3;
	v8 =	vadd.s32 s29, v0;
	v10 =	vshll.u32 v7, $0x8;
	v7 =	vor.u32 v1, v25;
	v11 =	vld.idx.msk [tilespmem:v11+s11+$0x0], $0xffff  }
0x123: {  	v19 =	vadd.s32 s30, v0;
	v12 =	vadd.s32 v15, v20;
	v26 =	vor.u32 $0xFFFFFF00, v8  }
0x124: {  	v9 =	vor.u32 $0xFFFFFF00, v19;
	v18 =	vand.u32 $0x7F, v8;
	v22 =	vadd.s32 v17, v26  }
0x125: {  	v21 =	vld [tilespmem:$0xF0];
	v27 =	vshll.u32 v8, $0x3;
	v8 =	vor.u32 $0xFFFFFF00, v23;
	v13 =	vadd.s32 v17, v9  }
0x126: {  	v14 =	vor.u32 v2, v25;
	v24 =	vld [tilespmem:$0x100];
	v29 =	vadd.s32 v17, v8;
	v30 =	vand.u32 $0xFFFFFF80, v13  }
0x127: {  	v28 =	vld [tilespmem:$0x110];
	v13 =	vand.u32 $0x7F, v19;
	v46 =	vadd.s32 v15, v8;
	[tilespmem:v7+s15+$0x0] =	vst.idx.msk $0xffff, v11;
	v7 =	vand.u32 $0x400, v27  }
0x128: {  	v11 =	vshll.u32 v23, $0x3;
	v27 =	vor.u32 v13, v30;
	v30 =	vld.idx.msk [tilespmem:v12+s11+$0x0], $0xffff;
	v7 =	vor.u32 v18, v7  }
0x129: {  	v22 =	vld.idx.msk [tilespmem:v22+s11+$0x0], $0xffff;
	v12 =	vand.u32 $0x7F, v23;
	v11 =	vand.u32 $0x400, v11;
	v23 =	vor.u32 v1, v7  }
0x12a: {  	v12 =	vor.u32 v12, v11;
	v11 =	vshll.u32 v19, $0x3;
	v19 =	vadd.s32 v15, v26  }
0x12b: {  	v16 =	vadd.s32 v10, v20;
	v29 =	vld.idx.msk [tilespmem:v29+s11+$0x0], $0xffff;
	v31 =	vor.u32 v1, v12;
	v11 =	vand.u32 $0x400, v11  }
0x12c: {  	s20 =	simm.s32 $0x4;
	v50 =	vadd.s32 v10, v26;
	v18 =	vadd.s32 v15, v9;
	v11 =	vor.u32 v13, v11  }
0x12d: {  	v47 =	vadd.s32 s20, v0;
	v18 =	vand.u32 $0xFFFFFF80, v18;
	v27 =	vld.idx.msk [tilespmem:v27+s11+$0x0], $0xffff;
	v48 =	vor.u32 v1, v11;
	[tilespmem:v14+s15+$0x0] =	vst.idx.msk $0xffff, v30  }
0x12e: {  	v51 =	vadd.s32 v10, v9;
	v30 =	vor.u32 v13, v18;
	v14 =	vor.u32 $0xFFFFFF00, v47;
	[tilespmem:v23+s15+$0x0] =	vst.idx.msk $0xffff, v22  }
0x12f: {  	v52 =	vadd.s32 v10, v8;
	v22 =	vadd.s32 v17, v14;
	v23 =	vor.u32 v2, v7;
	v19 =	vld.idx.msk [tilespmem:v19+s11+$0x0], $0xffff  }
0x130: {  	v18 =	vshll.u32 v21, $0x8;
	v16 =	vld.idx.msk [tilespmem:v16+s11+$0x0], $0xffff;
	[tilespmem:v31+s15+$0x0] =	vst.idx.msk $0xffff, v29;
	v31 =	vor.u32 v3, v25  }
0x131: {  	v33 =	vand.u32 $0xFFFFFF80, v51;
	v21 =	vshll.u32 v47, $0x3;
	v49 =	vadd.s32 v18, v20  }
0x132: {  	v21 =	vand.u32 $0x400, v21;
	v29 =	vand.u32 $0x7F, v47;
	v32 =	vld.idx.msk [tilespmem:v46+s11+$0x0], $0xffff;
	[tilespmem:v48+s15+$0x0] =	vst.idx.msk $0xffff, v27;
	v27 =	vor.u32 v2, v12  }
0x133: {  	v56 =	vor.u32 v3, v12;
	v53 =	vor.u32 v2, v11;
	v21 =	vor.u32 v29, v21;
	v30 =	vld.idx.msk [tilespmem:v30+s11+$0x0], $0xffff  }
0x134: {  	v29 =	vor.u32 v13, v33;
	v22 =	vld.idx.msk [tilespmem:v22+s11+$0x0], $0xffff;
	[tilespmem:v23+s15+$0x0] =	vst.idx.msk $0xffff, v19;
	v23 =	vor.u32 v1, v21  }
0x135: {  	v58 =	vor.u32 v3, v11;
	[tilespmem:v31+s15+$0x0] =	vst.idx.msk $0xffff, v16;
	v31 =	vor.u32 v3, v7;
	v54 =	vld.idx.msk [tilespmem:v50+s11+$0x0], $0xffff  }
0x136: {  	v55 =	vadd.s32 v15, v14;
	v19 =	vshll.u32 v24, $0x8;
	v16 =	vshll.u32 v28, $0x8  }
0x137: {  	v28 =	vor.u32 v4, v25;
	v35 =	vld.idx.msk [tilespmem:v49+s11+$0x0], $0xffff;
	[tilespmem:v27+s15+$0x0] =	vst.idx.msk $0xffff, v32;
	v27 =	vadd.s32 v18, v26  }
0x138: {  	s31 =	simm.s32 $0x6;
	v24 =	vadd.s32 v18, v9;
	v34 =	vld.idx.msk [tilespmem:v52+s11+$0x0], $0xffff;
	[tilespmem:v53+s15+$0x0] =	vst.idx.msk $0xffff, v30;
	v30 =	vadd.s32 v19, v20  }
0x139: {  	v62 =	vadd.s32 s31, v0;
	v57 =	vld.idx.msk [tilespmem:v29+s11+$0x0], $0xffff;
	v29 =	vadd.s32 v18, v8;
	[tilespmem:v23+s15+$0x0] =	vst.idx.msk $0xffff, v22;
	v22 =	vand.u32 $0xFFFFFF80, v24  }
0x13a: {  	v42 =	vshll.u32 v62, $0x3;
	[tilespmem:v31+s15+$0x0] =	vst.idx.msk $0xffff, v54;
	v31 =	vor.u32 v13, v22  }
0x13b: {  	v63 =	vor.u32 v4, v7;
	v60 =	vor.u32 v2, v21;
	v33 =	vadd.s32 v19, v8;
	v59 =	vld.idx.msk [tilespmem:v55+s11+$0x0], $0xffff  }
0x13c: {  	v24 =	vadd.s32 v16, v20;
	v23 =	vadd.s32 v10, v14;
	[tilespmem:v28+s15+$0x0] =	vst.idx.msk $0xffff, v35;
	v61 =	vld.idx.msk [tilespmem:v27+s11+$0x0], $0xffff  }
0x13d: {  	v38 =	vand.u32 $0x400, v42;
	v20 =	vor.u32 $0xFFFFFF00, v62;
	v27 =	vadd.s32 v19, v26;
	v32 =	vld.idx.msk [tilespmem:v30+s11+$0x0], $0xffff;
	[tilespmem:v56+s15+$0x0] =	vst.idx.msk $0xffff, v34  }
0x13e: {  	v22 =	vor.u32 v6, v25;
	v28 =	vor.u32 v5, v25;
	v29 =	vld.idx.msk [tilespmem:v29+s11+$0x0], $0xffff;
	[tilespmem:v58+s15+$0x0] =	vst.idx.msk $0xffff, v57  }
0x13f: {  	v25 =	vadd.s32 v16, v26;
	v34 =	vor.u32 v4, v12;
	v30 =	vld.idx.msk [tilespmem:v31+s11+$0x0], $0xffff;
	v31 =	vadd.s32 v19, v9  }
0x140: {  	v35 =	vor.u32 v4, v11;
	v37 =	vadd.s32 v17, v20;
	[tilespmem:v60+s15+$0x0] =	vst.idx.msk $0xffff, v59;
	v31 =	vand.u32 $0xFFFFFF80, v31  }
0x141: {  	s22 =	simm.s32 $0x7;
	s21 =	simm.s32 $0x8;
	v36 =	vand.u32 $0x7F, v62;
	v26 =	vadd.s32 v15, v20;
	[tilespmem:v63+s15+$0x0] =	vst.idx.msk $0xffff, v61;
	v31 =	vor.u32 v13, v31  }
.LBB2_6:
0x142: {  	p0 =	slt.u32 s21, $0xFC;
	s23 =	sadd.s32 $0x1, s20;
	v36 =	vor.u32 v36, v38;
	v38 =	vadd.s32 s22, v0;
	v39 =	vld.idx.msk [tilespmem:v27+s11+$0x0], $0xffff;
	v40 =	vor.u32 v5, v7;
	v27 =	vmovc v21;
	s20 =	smov.u32 s21  }
0x143: {  	v21 =	vadd.s32 s23, v0;
	v41 =	vor.u32 v1, v36;
	v42 =	vor.u32 $0xFFFFFF00, v38;
	[tilespmem:v28+s15+$0x0] =	vst.idx.msk $0xffff, v32  }
0x144: {  	v28 =	vor.u32 $0xFFFFFF00, v21;
	v32 =	vshll.u32 v21, $0x3;
	v43 =	vadd.s32 v17, v42;
	[tilespmem:v34+s15+$0x0] =	vst.idx.msk $0xffff, v29  }
0x145: {  	v29 =	vadd.s32 v17, v28;
	v34 =	vand.u32 $0xFFFFFF80, v43;
	v43 =	vand.u32 $0x7F, v38;
	v33 =	vld.idx.msk [tilespmem:v33+s11+$0x0], $0xffff;
	[tilespmem:v35+s15+$0x0] =	vst.idx.msk $0xffff, v30  }
0x146: {  	v45 =	vadd.s32 v16, v9;
	v30 =	vor.u32 v43, v34;
	v34 =	vor.u32 v5, v12;
	v31 =	vld.idx.msk [tilespmem:v31+s11+$0x0], $0xffff  }
0x147: {  	v44 =	vor.u32 v5, v11;
	v9 =	vmovc v42;
	v35 =	vld.idx.msk [tilespmem:v37+s11+$0x0], $0xffff;
	v37 =	vadd.s32 v16, v8;
	v8 =	vand.u32 $0xFFFFFF80, v45  }
0x148: {  	v21 =	vand.u32 $0x7F, v21;
	v32 =	vand.u32 $0x400, v32;
	v24 =	vld.idx.msk [tilespmem:v24+s11+$0x0], $0xffff;
	[tilespmem:v40+s15+$0x0] =	vst.idx.msk $0xffff, v39;
	v13 =	vor.u32 v13, v8  }
0x149: {  	v32 =	vor.u32 v21, v32;
	v40 =	vshll.u32 v38, $0x3;
	v21 =	vld.idx.msk [tilespmem:v25+s11+$0x0], $0xffff;
	v25 =	vor.u32 v6, v7;
	v7 =	vmovc v36  }
0x14a: {  	v38 =	vadd.s32 v15, v28;
	v36 =	vor.u32 v1, v32;
	v39 =	vand.u32 $0x400, v40;
	v29 =	vld.idx.msk [tilespmem:v29+s11+$0x0], $0xffff;
	v8 =	vmovc v28  }
0x14b: {  	v28 =	vld.idx.msk [tilespmem:v30+s11+$0x0], $0xffff;
	v30 =	vor.u32 v43, v39;
	v39 =	vadd.s32 v15, v9;
	[tilespmem:v34+s15+$0x0] =	vst.idx.msk $0xffff, v33  }
0x14c: {  	v33 =	vadd.s32 s21, v0;
	v34 =	vor.u32 v1, v30;
	v39 =	vand.u32 $0xFFFFFF80, v39;
	v37 =	vld.idx.msk [tilespmem:v37+s11+$0x0], $0xffff;
	[tilespmem:v44+s15+$0x0] =	vst.idx.msk $0xffff, v31  }
0x14d: {  	v12 =	vor.u32 v6, v12;
	[tilespmem:v41+s15+$0x0] =	vst.idx.msk $0xffff, v35;
	v31 =	vor.u32 v43, v39;
	v35 =	vld.idx.msk [tilespmem:v13+s11+$0x0], $0xffff  }
0x14e: {  	v11 =	vor.u32 v6, v11;
	v39 =	vor.u32 $0xFFFFFF00, v33;
	v13 =	vmov v43;
	v26 =	vld.idx.msk [tilespmem:v26+s11+$0x0], $0xffff;
	[tilespmem:v22+s15+$0x0] =	vst.idx.msk $0xffff, v24  }
0x14f: {  	v40 =	vor.u32 v2, v7;
	v22 =	vadd.s32 v17, v39;
	v24 =	vshll.u32 v33, $0x3;
	[tilespmem:v25+s15+$0x0] =	vst.idx.msk $0xffff, v21  }
0x150: {  	v25 =	vadd.s32 v18, v14;
	v23 =	vld.idx.msk [tilespmem:v23+s11+$0x0], $0xffff;
	[tilespmem:v36+s15+$0x0] =	vst.idx.msk $0xffff, v29;
	v29 =	vadd.s32 v10, v20  }
0x151: {  	v21 =	vand.u32 $0x7F, v33;
	v24 =	vand.u32 $0x400, v24;
	v33 =	vor.u32 v3, v27;
	v36 =	vld.idx.msk [tilespmem:v38+s11+$0x0], $0xffff;
	[tilespmem:v34+s15+$0x0] =	vst.idx.msk $0xffff, v28  }
0x152: {  	v28 =	vor.u32 v2, v32;
	v34 =	vadd.s32 v10, v9;
	v31 =	vld.idx.msk [tilespmem:v31+s11+$0x0], $0xffff;
	[tilespmem:v12+s15+$0x0] =	vst.idx.msk $0xffff, v37  }
0x153: {  	v38 =	vor.u32 v2, v30;
	v37 =	vadd.s32 v10, v8;
	v34 =	vand.u32 $0xFFFFFF80, v34;
	[tilespmem:v11+s15+$0x0] =	vst.idx.msk $0xffff, v35  }
0x154: {  	v21 =	vor.u32 v21, v24;
	v24 =	vor.u32 v13, v34;
	v22 =	vld.idx.msk [tilespmem:v22+s11+$0x0], $0xffff;
	[tilespmem:v40+s15+$0x0] =	vst.idx.msk $0xffff, v26  }
0x155: {  	v12 =	vmov v32;
	v11 =	vmov v30;
	v26 =	vor.u32 v1, v21;
	v29 =	vld.idx.msk [tilespmem:v29+s11+$0x0], $0xffff  }
0x156: {  	v30 =	vadd.s32 v15, v39;
	[tilespmem:v33+s15+$0x0] =	vst.idx.msk $0xffff, v23;
	v23 =	vor.u32 v3, v7  }
0x157: {  	v25 =	vld.idx.msk [tilespmem:v25+s11+$0x0], $0xffff;
	[tilespmem:v28+s15+$0x0] =	vst.idx.msk $0xffff, v36;
	v28 =	vadd.s32 v18, v20  }
0x158: {  	v32 =	vor.u32 v4, v27;
	v33 =	vld.idx.msk [tilespmem:v37+s11+$0x0], $0xffff;
	[tilespmem:v38+s15+$0x0] =	vst.idx.msk $0xffff, v31  }
0x159: {  	v34 =	vor.u32 v3, v12;
	v31 =	vadd.s32 v19, v14;
	v35 =	vld.idx.msk [tilespmem:v24+s11+$0x0], $0xffff;
	v24 =	vadd.s32 v18, v9  }
0x15a: {  	v37 =	vor.u32 v3, v11;
	[tilespmem:v26+s15+$0x0] =	vst.idx.msk $0xffff, v22;
	v26 =	vadd.s32 v18, v8;
	v22 =	vand.u32 $0xFFFFFF80, v24  }
0x15b: {  	v24 =	vadd.s32 v16, v14;
	v38 =	vld.idx.msk [tilespmem:v30+s11+$0x0], $0xffff;
	[tilespmem:v23+s15+$0x0] =	vst.idx.msk $0xffff, v29;
	v30 =	vor.u32 v13, v22  }
0x15c: {  	s22 =	sadd.s32 $0x2, s21;
	v40 =	vor.u32 v2, v21;
	v23 =	vadd.s32 v10, v39;
	v22 =	vor.u32 v6, v27;
	v41 =	vld.idx.msk [tilespmem:v28+s11+$0x0], $0xffff  }
0x15d: {  	v42 =	vadd.s32 s22, v0;
	v43 =	vor.u32 v4, v7;
	v28 =	vor.u32 v5, v27;
	[tilespmem:v32+s15+$0x0] =	vst.idx.msk $0xffff, v25  }
.Ltmp2:
0x15e: {  	v36 =	vand.u32 $0x7F, v42;
	v14 =	vmov v39;
	v27 =	vadd.s32 v19, v20;
	v32 =	vld.idx.msk [tilespmem:v31+s11+$0x0], $0xffff;
	[tilespmem:v34+s15+$0x0] =	vst.idx.msk $0xffff, v33;
	(pc) =	sbr.rel @p0 .LBB2_6-.Ltmp2, $4  }
0x15f: {  	v25 =	vadd.s32 v16, v20;
	v20 =	vor.u32 $0xFFFFFF00, v42;
	v31 =	vshll.u32 v42, $0x3;
	v29 =	vld.idx.msk [tilespmem:v26+s11+$0x0], $0xffff;
	[tilespmem:v37+s15+$0x0] =	vst.idx.msk $0xffff, v35  }
0x160: {  	v34 =	vor.u32 v4, v12;
	v26 =	vadd.s32 v15, v20;
	v37 =	vadd.s32 v19, v9;
	v30 =	vld.idx.msk [tilespmem:v30+s11+$0x0], $0xffff  }
0x161: {  	v33 =	vadd.s32 v19, v8;
	v35 =	vor.u32 v4, v11;
	v39 =	vand.u32 $0xFFFFFF80, v37;
	[tilespmem:v40+s15+$0x0] =	vst.idx.msk $0xffff, v38  }
0x162: {  	s22 =	sadd.s32 $0x3, s20;
	s21 =	sadd.s32 $0x4, s21;
	v37 =	vadd.s32 v17, v20;
	v38 =	vand.u32 $0x400, v31;
	v31 =	vor.u32 v13, v39;
	[tilespmem:v43+s15+$0x0] =	vst.idx.msk $0xffff, v41  }
0x163: {  	s20 =	sadd.s32 $0x1, s20;
	v39 =	vadd.s32 s22, v0  }
0x164: {  	v40 =	vadd.s32 s20, v0;
	v41 =	vor.u32 $0xFFFFFF00, v39  }
0x165: {  	v42 =	vor.u32 $0xFFFFFF00, v40;
	v43 =	vadd.s32 v17, v41  }
0x166: {  	v44 =	vand.u32 $0x7F, v39;
	v53 =	vadd.s32 v17, v42;
	v43 =	vand.u32 $0xFFFFFF80, v43  }
0x167: {  	v54 =	vor.u32 v44, v43  }
0x168: {  	v36 =	vor.u32 v36, v38;
	v45 =	vshll.u32 v40, $0x3  }
0x169: {  	[tilespmem:v28+s15+$0x0] =	vst.idx.msk $0xffff, v32;
	v39 =	vshll.u32 v39, $0x3;
	v40 =	vand.u32 $0x7F, v40;
	v45 =	vand.u32 $0x400, v45  }
0x16a: {  	v56 =	vld.idx.msk [tilespmem:v37+s11+$0x0], $0xffff;
	v55 =	vor.u32 v1, v36;
	v57 =	vand.u32 $0x400, v39;
	v32 =	vor.u32 v40, v45  }
0x16b: {  	v59 =	vadd.s32 v15, v41;
	v37 =	vor.u32 v44, v57;
	v58 =	vor.u32 v1, v32;
	v17 =	vld.idx.msk [tilespmem:v53+s11+$0x0], $0xffff  }
0x16c: {  	v60 =	vadd.s32 v15, v42;
	v61 =	vor.u32 v1, v37;
	v40 =	vand.u32 $0xFFFFFF80, v59;
	v38 =	vld.idx.msk [tilespmem:v54+s11+$0x0], $0xffff  }
0x16d: {  	v62 =	vor.u32 v44, v40  }
0x16e: {  	[tilespmem:v34+s15+$0x0] =	vst.idx.msk $0xffff, v29  }
0x16f: {  	v27 =	vld.idx.msk [tilespmem:v27+s11+$0x0], $0xffff;
	v63 =	vor.u32 v5, v7;
	[tilespmem:v55+s15+$0x0] =	vst.idx.msk $0xffff, v56  }
0x170: {  	v48 =	vadd.s32 v10, v20;
	v47 =	vor.u32 v2, v36;
	v26 =	vld.idx.msk [tilespmem:v26+s11+$0x0], $0xffff;
	[tilespmem:v58+s15+$0x0] =	vst.idx.msk $0xffff, v17  }
0x171: {  	v50 =	vadd.s32 v10, v41;
	v49 =	vor.u32 v2, v32;
	v15 =	vld.idx.msk [tilespmem:v60+s11+$0x0], $0xffff;
	[tilespmem:v61+s15+$0x0] =	vst.idx.msk $0xffff, v38  }
0x172: {  	v51 =	vadd.s32 v10, v42;
	v52 =	vor.u32 v2, v37;
	v38 =	vand.u32 $0xFFFFFF80, v50;
	v29 =	vld.idx.msk [tilespmem:v62+s11+$0x0], $0xffff  }
0x173: {  	v24 =	vld.idx.msk [tilespmem:v24+s11+$0x0], $0xffff;
	[tilespmem:v35+s15+$0x0] =	vst.idx.msk $0xffff, v30;
	v53 =	vor.u32 v44, v38  }
0x174: {  	v46 =	vor.u32 v5, v12;
	v33 =	vld.idx.msk [tilespmem:v33+s11+$0x0], $0xffff;
	v57 =	vor.u32 v3, v21;
	[tilespmem:v63+s15+$0x0] =	vst.idx.msk $0xffff, v27  }
0x175: {  	v23 =	vld.idx.msk [tilespmem:v23+s11+$0x0], $0xffff;
	v59 =	vadd.s32 v18, v20;
	v63 =	vor.u32 v3, v37;
	[tilespmem:v47+s15+$0x0] =	vst.idx.msk $0xffff, v26  }
0x176: {  	v56 =	vadd.s32 v18, v14;
	v17 =	vld.idx.msk [tilespmem:v48+s11+$0x0], $0xffff;
	v58 =	vor.u32 v3, v36;
	[tilespmem:v49+s15+$0x0] =	vst.idx.msk $0xffff, v15  }
0x177: {  	v60 =	vor.u32 v3, v32;
	v61 =	vadd.s32 v18, v41;
	v10 =	vld.idx.msk [tilespmem:v51+s11+$0x0], $0xffff;
	[tilespmem:v52+s15+$0x0] =	vst.idx.msk $0xffff, v29  }
0x178: {  	[tilespmem:v22+s15+$0x0] =	vst.idx.msk $0xffff, v24;
	v62 =	vadd.s32 v18, v42;
	v29 =	vand.u32 $0xFFFFFF80, v61;
	v27 =	vld.idx.msk [tilespmem:v53+s11+$0x0], $0xffff  }
0x179: {  	[tilespmem:v46+s15+$0x0] =	vst.idx.msk $0xffff, v33;
	v29 =	vor.u32 v44, v29  }
0x17a: {  	v9 =	vadd.s32 v16, v9;
	v55 =	vor.u32 v5, v11;
	[tilespmem:v57+s15+$0x0] =	vst.idx.msk $0xffff, v23;
	v54 =	vld.idx.msk [tilespmem:v31+s11+$0x0], $0xffff  }
0x17b: {  	v34 =	vadd.s32 v19, v14;
	v33 =	vor.u32 v4, v21;
	v23 =	vld.idx.msk [tilespmem:v56+s11+$0x0], $0xffff;
	[tilespmem:v58+s15+$0x0] =	vst.idx.msk $0xffff, v17  }
0x17c: {  	v39 =	vadd.s32 v19, v20;
	v38 =	vor.u32 v4, v36;
	v15 =	vld.idx.msk [tilespmem:v59+s11+$0x0], $0xffff;
	[tilespmem:v60+s15+$0x0] =	vst.idx.msk $0xffff, v10  }
0x17d: {  	v43 =	vadd.s32 v19, v41;
	v40 =	vor.u32 v4, v32;
	v18 =	vld.idx.msk [tilespmem:v62+s11+$0x0], $0xffff;
	[tilespmem:v63+s15+$0x0] =	vst.idx.msk $0xffff, v27  }
0x17e: {  	v46 =	vadd.s32 v19, v42;
	v47 =	vor.u32 v4, v37;
	v27 =	vand.u32 $0xFFFFFF80, v43;
	v45 =	vld.idx.msk [tilespmem:v29+s11+$0x0], $0xffff  }
0x17f: {  	v8 =	vadd.s32 v16, v8;
	v9 =	vand.u32 $0xFFFFFF80, v9;
	[tilespmem:v55+s15+$0x0] =	vst.idx.msk $0xffff, v54;
	v48 =	vor.u32 v44, v27  }
0x180: {  	v7 =	vor.u32 v6, v7;
	v9 =	vor.u32 v13, v9;
	[tilespmem:v33+s15+$0x0] =	vst.idx.msk $0xffff, v23;
	v49 =	vld.idx.msk [tilespmem:v25+s11+$0x0], $0xffff  }
0x181: {  	v56 =	vadd.s32 v16, v41;
	v51 =	vor.u32 v5, v21;
	v52 =	vld.idx.msk [tilespmem:v34+s11+$0x0], $0xffff;
	[tilespmem:v38+s15+$0x0] =	vst.idx.msk $0xffff, v15  }
0x182: {  	v50 =	vadd.s32 v16, v14;
	v54 =	vor.u32 v5, v36;
	v10 =	vld.idx.msk [tilespmem:v39+s11+$0x0], $0xffff;
	[tilespmem:v40+s15+$0x0] =	vst.idx.msk $0xffff, v18  }
0x183: {  	v55 =	vor.u32 v5, v32;
	v53 =	vadd.s32 v16, v20;
	v18 =	vld.idx.msk [tilespmem:v46+s11+$0x0], $0xffff;
	[tilespmem:v47+s15+$0x0] =	vst.idx.msk $0xffff, v45  }
0x184: {  	v57 =	vadd.s32 v16, v42;
	v58 =	vor.u32 v5, v37;
	v20 =	vand.u32 $0xFFFFFF80, v56;
	v22 =	vld.idx.msk [tilespmem:v48+s11+$0x0], $0xffff  }
0x185: {  	v8 =	vld.idx.msk [tilespmem:v8+s11+$0x0], $0xffff;
	v59 =	vor.u32 v6, v12;
	[tilespmem:v7+s15+$0x0] =	vst.idx.msk $0xffff, v49;
	v7 =	vor.u32 v44, v20  }
0x186: {  	v9 =	vld.idx.msk [tilespmem:v9+s11+$0x0], $0xffff;
	v60 =	vor.u32 v6, v11;
	[tilespmem:v51+s15+$0x0] =	vst.idx.msk $0xffff, v52  }
0x187: {  	v61 =	vor.u32 v6, v21;
	v14 =	vld.idx.msk [tilespmem:v50+s11+$0x0], $0xffff;
	[tilespmem:v54+s15+$0x0] =	vst.idx.msk $0xffff, v10  }
0x188: {  	v62 =	vor.u32 v6, v36;
	v10 =	vld.idx.msk [tilespmem:v53+s11+$0x0], $0xffff;
	[tilespmem:v55+s15+$0x0] =	vst.idx.msk $0xffff, v18  }
0x189: {  	v63 =	vor.u32 v6, v32;
	v16 =	vld.idx.msk [tilespmem:v57+s11+$0x0], $0xffff;
	[tilespmem:v58+s15+$0x0] =	vst.idx.msk $0xffff, v22  }
0x18a: {  	[tilespmem:v59+s15+$0x0] =	vst.idx.msk $0xffff, v8;
	v8 =	vor.u32 v6, v37;
	v7 =	vld.idx.msk [tilespmem:v7+s11+$0x0], $0xffff  }
0x18b: {  	[tilespmem:v60+s15+$0x0] =	vst.idx.msk $0xffff, v9  }
0x18c: {  	[tilespmem:v61+s15+$0x0] =	vst.idx.msk $0xffff, v14  }
0x18d: {  	[tilespmem:v62+s15+$0x0] =	vst.idx.msk $0xffff, v10  }
0x18e: {  	[tilespmem:v63+s15+$0x0] =	vst.idx.msk $0xffff, v16  }
0x18f: {  	s20 =	simm.s32 $0x1;
	[tilespmem:v8+s15+$0x0] =	vst.idx.msk $0xffff, v7  }
0x190: {  	[hbm4b:s9+s4] =	stream.linear.scatter [tilespmem:s15], [sflag:$0x3], $0x6000, $0x38;
	[tilespmem:$0x1A480] =	vst v63  }
.LBB2_8:
0x191: {  	_ =	swait.ge [sflag:s16], $0x6000  }
0x192: {  	s21 =	smul.u32 $0x120, s20;
	[sflag:s16] =	ssyncset.done $0x0  }
0x193: {  	[sflag:s16] =	ssyncadd.s32 $0xFFFFA000  }
0x194: {  	v7 =	vld [tilespmem:s21+$0x0];
	_ =	sdelay $0x2  }
0x195: {  	s22 =	simm.s32 $0x0  }
0x196: {  	v9 =	vadd.s32 s22, v0  }
0x197: {  	v20 =	vor.u32 $0xFFFFFF00, v9;
	v8 =	vld [tilespmem:s21+$0x10];
	v17 =	vshll.u32 v7, $0x8  }
0x198: {  	v7 =	vld [tilespmem:s21+$0x20];
	v11 =	vadd.s32 v17, v20;
	_ =	sdelay $0x1  }
0x199: {  	v10 =	vshll.u32 v9, $0x3  }
0x19a: {  	s30 =	simm.s32 $0x3;
	v9 =	vand.u32 $0x7F, v9;
	v10 =	vand.u32 $0x400, v10  }
0x19b: {  	s29 =	simm.s32 $0x2;
	v19 =	vadd.s32 s30, v0;
	v25 =	vor.u32 v9, v10;
	v15 =	vshll.u32 v8, $0x8  }
0x19c: {  	s23 =	simm.s32 $0x1;
	v8 =	vadd.s32 s29, v0;
	v10 =	vshll.u32 v7, $0x8;
	v7 =	vor.u32 v1, v25;
	v11 =	vld.idx.msk [tilespmem:v11+s11+$0x0], $0xffff  }
0x19d: {  	v23 =	vadd.s32 s23, v0;
	v12 =	vadd.s32 v15, v20;
	v26 =	vor.u32 $0xFFFFFF00, v8  }
0x19e: {  	v9 =	vor.u32 $0xFFFFFF00, v19;
	v18 =	vand.u32 $0x7F, v8;
	v22 =	vadd.s32 v17, v26  }
0x19f: {  	v21 =	vld [tilespmem:s21+$0x30];
	v27 =	vshll.u32 v8, $0x3;
	v8 =	vor.u32 $0xFFFFFF00, v23;
	v13 =	vadd.s32 v17, v9  }
0x1a0: {  	v24 =	vld [tilespmem:s21+$0x40];
	v14 =	vor.u32 v2, v25;
	v29 =	vadd.s32 v17, v8;
	v30 =	vand.u32 $0xFFFFFF80, v13  }
0x1a1: {  	v28 =	vld [tilespmem:s21+$0x50];
	v13 =	vand.u32 $0x7F, v19;
	v32 =	vadd.s32 v15, v8;
	[tilespmem:v7+s13+$0x0] =	vst.idx.msk $0xffff, v11;
	v7 =	vand.u32 $0x400, v27  }
0x1a2: {  	v11 =	vshll.u32 v23, $0x3;
	v27 =	vor.u32 v13, v30;
	v30 =	vld.idx.msk [tilespmem:v12+s11+$0x0], $0xffff;
	v7 =	vor.u32 v18, v7  }
0x1a3: {  	v22 =	vld.idx.msk [tilespmem:v22+s11+$0x0], $0xffff;
	v12 =	vand.u32 $0x7F, v23;
	v11 =	vand.u32 $0x400, v11;
	v23 =	vor.u32 v1, v7  }
0x1a4: {  	v12 =	vor.u32 v12, v11;
	v11 =	vshll.u32 v19, $0x3;
	v19 =	vadd.s32 v15, v26  }
0x1a5: {  	v16 =	vadd.s32 v10, v20;
	v29 =	vld.idx.msk [tilespmem:v29+s11+$0x0], $0xffff;
	v31 =	vor.u32 v1, v12;
	v11 =	vand.u32 $0x400, v11  }
0x1a6: {  	s22 =	simm.s32 $0x4;
	v36 =	vadd.s32 v10, v26;
	v18 =	vadd.s32 v15, v9;
	v11 =	vor.u32 v13, v11  }
0x1a7: {  	v33 =	vadd.s32 s22, v0;
	v18 =	vand.u32 $0xFFFFFF80, v18;
	v27 =	vld.idx.msk [tilespmem:v27+s11+$0x0], $0xffff;
	v34 =	vor.u32 v1, v11;
	[tilespmem:v14+s13+$0x0] =	vst.idx.msk $0xffff, v30  }
0x1a8: {  	v58 =	vadd.s32 v10, v9;
	v30 =	vor.u32 v13, v18;
	v14 =	vor.u32 $0xFFFFFF00, v33;
	[tilespmem:v23+s13+$0x0] =	vst.idx.msk $0xffff, v22  }
0x1a9: {  	v59 =	vadd.s32 v10, v8;
	v22 =	vadd.s32 v17, v14;
	v23 =	vor.u32 v2, v7;
	v19 =	vld.idx.msk [tilespmem:v19+s11+$0x0], $0xffff  }
0x1aa: {  	v18 =	vshll.u32 v21, $0x8;
	v16 =	vld.idx.msk [tilespmem:v16+s11+$0x0], $0xffff;
	[tilespmem:v31+s13+$0x0] =	vst.idx.msk $0xffff, v29;
	v31 =	vor.u32 v3, v25  }
0x1ab: {  	v62 =	vor.u32 v3, v12;
	v21 =	vshll.u32 v33, $0x3;
	v35 =	vadd.s32 v18, v20  }
0x1ac: {  	v21 =	vand.u32 $0x400, v21;
	v29 =	vand.u32 $0x7F, v33;
	v32 =	vld.idx.msk [tilespmem:v32+s11+$0x0], $0xffff;
	[tilespmem:v34+s13+$0x0] =	vst.idx.msk $0xffff, v27;
	v27 =	vor.u32 v2, v12  }
0x1ad: {  	v37 =	vor.u32 v2, v11;
	v33 =	vand.u32 $0xFFFFFF80, v58;
	v21 =	vor.u32 v29, v21;
	v30 =	vld.idx.msk [tilespmem:v30+s11+$0x0], $0xffff  }
0x1ae: {  	v29 =	vor.u32 v13, v33;
	v22 =	vld.idx.msk [tilespmem:v22+s11+$0x0], $0xffff;
	[tilespmem:v23+s13+$0x0] =	vst.idx.msk $0xffff, v19;
	v23 =	vor.u32 v1, v21  }
0x1af: {  	v39 =	vor.u32 v3, v11;
	[tilespmem:v31+s13+$0x0] =	vst.idx.msk $0xffff, v16;
	v31 =	vor.u32 v3, v7;
	v60 =	vld.idx.msk [tilespmem:v36+s11+$0x0], $0xffff  }
0x1b0: {  	v61 =	vadd.s32 v15, v14;
	v19 =	vshll.u32 v24, $0x8;
	v16 =	vshll.u32 v28, $0x8  }
0x1b1: {  	v28 =	vor.u32 v4, v25;
	v35 =	vld.idx.msk [tilespmem:v35+s11+$0x0], $0xffff;
	[tilespmem:v27+s13+$0x0] =	vst.idx.msk $0xffff, v32;
	v27 =	vadd.s32 v18, v26  }
0x1b2: {  	v24 =	vadd.s32 v18, v9;
	v34 =	vld.idx.msk [tilespmem:v59+s11+$0x0], $0xffff;
	[tilespmem:v37+s13+$0x0] =	vst.idx.msk $0xffff, v30;
	v30 =	vadd.s32 v19, v20  }
0x1b3: {  	s31 =	simm.s32 $0x6;
	v38 =	vld.idx.msk [tilespmem:v29+s11+$0x0], $0xffff;
	v29 =	vadd.s32 v18, v8;
	[tilespmem:v23+s13+$0x0] =	vst.idx.msk $0xffff, v22;
	v22 =	vand.u32 $0xFFFFFF80, v24  }
0x1b4: {  	v42 =	vadd.s32 s31, v0;
	v43 =	vor.u32 v4, v7;
	[tilespmem:v31+s13+$0x0] =	vst.idx.msk $0xffff, v60;
	v31 =	vor.u32 v13, v22  }
0x1b5: {  	v63 =	vor.u32 v2, v21;
	v36 =	vand.u32 $0x7F, v42;
	v33 =	vadd.s32 v19, v8;
	v40 =	vld.idx.msk [tilespmem:v61+s11+$0x0], $0xffff  }
0x1b6: {  	v24 =	vadd.s32 v16, v20;
	v23 =	vadd.s32 v10, v14;
	[tilespmem:v28+s13+$0x0] =	vst.idx.msk $0xffff, v35;
	v41 =	vld.idx.msk [tilespmem:v27+s11+$0x0], $0xffff  }
0x1b7: {  	v20 =	vor.u32 $0xFFFFFF00, v42;
	v42 =	vshll.u32 v42, $0x3;
	v27 =	vadd.s32 v19, v26;
	v32 =	vld.idx.msk [tilespmem:v30+s11+$0x0], $0xffff;
	[tilespmem:v62+s13+$0x0] =	vst.idx.msk $0xffff, v34  }
0x1b8: {  	v22 =	vor.u32 v6, v25;
	v28 =	vor.u32 v5, v25;
	v29 =	vld.idx.msk [tilespmem:v29+s11+$0x0], $0xffff;
	[tilespmem:v39+s13+$0x0] =	vst.idx.msk $0xffff, v38  }
0x1b9: {  	v25 =	vadd.s32 v16, v26;
	v34 =	vor.u32 v4, v12;
	v30 =	vld.idx.msk [tilespmem:v31+s11+$0x0], $0xffff;
	v31 =	vadd.s32 v19, v9  }
0x1ba: {  	v35 =	vor.u32 v4, v11;
	v37 =	vadd.s32 v17, v20;
	[tilespmem:v63+s13+$0x0] =	vst.idx.msk $0xffff, v40;
	v31 =	vand.u32 $0xFFFFFF80, v31  }
0x1bb: {  	s24 =	simm.s32 $0x7;
	s23 =	simm.s32 $0x8;
	v26 =	vadd.s32 v15, v20;
	v38 =	vand.u32 $0x400, v42;
	[tilespmem:v43+s13+$0x0] =	vst.idx.msk $0xffff, v41;
	v31 =	vor.u32 v13, v31  }
.LBB2_9:
0x1bc: {  	p0 =	slt.u32 s23, $0xFC;
	s25 =	sadd.s32 $0x1, s22;
	v36 =	vor.u32 v36, v38;
	v38 =	vadd.s32 s24, v0;
	v39 =	vld.idx.msk [tilespmem:v27+s11+$0x0], $0xffff;
	v40 =	vor.u32 v5, v7;
	v27 =	vmovc v21;
	s22 =	smov.u32 s23  }
0x1bd: {  	v21 =	vadd.s32 s25, v0;
	v41 =	vor.u32 v1, v36;
	v42 =	vor.u32 $0xFFFFFF00, v38;
	[tilespmem:v28+s13+$0x0] =	vst.idx.msk $0xffff, v32  }
0x1be: {  	v28 =	vor.u32 $0xFFFFFF00, v21;
	v32 =	vshll.u32 v21, $0x3;
	v43 =	vadd.s32 v17, v42;
	[tilespmem:v34+s13+$0x0] =	vst.idx.msk $0xffff, v29  }
0x1bf: {  	v29 =	vadd.s32 v17, v28;
	v34 =	vand.u32 $0xFFFFFF80, v43;
	v43 =	vand.u32 $0x7F, v38;
	v33 =	vld.idx.msk [tilespmem:v33+s11+$0x0], $0xffff;
	[tilespmem:v35+s13+$0x0] =	vst.idx.msk $0xffff, v30  }
0x1c0: {  	v45 =	vadd.s32 v16, v9;
	v30 =	vor.u32 v43, v34;
	v34 =	vor.u32 v5, v12;
	v31 =	vld.idx.msk [tilespmem:v31+s11+$0x0], $0xffff  }
0x1c1: {  	v44 =	vor.u32 v5, v11;
	v9 =	vmovc v42;
	v35 =	vld.idx.msk [tilespmem:v37+s11+$0x0], $0xffff;
	v37 =	vadd.s32 v16, v8;
	v8 =	vand.u32 $0xFFFFFF80, v45  }
0x1c2: {  	v21 =	vand.u32 $0x7F, v21;
	v32 =	vand.u32 $0x400, v32;
	v24 =	vld.idx.msk [tilespmem:v24+s11+$0x0], $0xffff;
	[tilespmem:v40+s13+$0x0] =	vst.idx.msk $0xffff, v39;
	v13 =	vor.u32 v13, v8  }
0x1c3: {  	v32 =	vor.u32 v21, v32;
	v40 =	vshll.u32 v38, $0x3;
	v21 =	vld.idx.msk [tilespmem:v25+s11+$0x0], $0xffff;
	v25 =	vor.u32 v6, v7;
	v7 =	vmovc v36  }
0x1c4: {  	v38 =	vadd.s32 v15, v28;
	v36 =	vor.u32 v1, v32;
	v39 =	vand.u32 $0x400, v40;
	v29 =	vld.idx.msk [tilespmem:v29+s11+$0x0], $0xffff;
	v8 =	vmovc v28  }
0x1c5: {  	v28 =	vld.idx.msk [tilespmem:v30+s11+$0x0], $0xffff;
	v30 =	vor.u32 v43, v39;
	v39 =	vadd.s32 v15, v9;
	[tilespmem:v34+s13+$0x0] =	vst.idx.msk $0xffff, v33  }
0x1c6: {  	v33 =	vadd.s32 s23, v0;
	v34 =	vor.u32 v1, v30;
	v39 =	vand.u32 $0xFFFFFF80, v39;
	v37 =	vld.idx.msk [tilespmem:v37+s11+$0x0], $0xffff;
	[tilespmem:v44+s13+$0x0] =	vst.idx.msk $0xffff, v31  }
0x1c7: {  	v12 =	vor.u32 v6, v12;
	[tilespmem:v41+s13+$0x0] =	vst.idx.msk $0xffff, v35;
	v31 =	vor.u32 v43, v39;
	v35 =	vld.idx.msk [tilespmem:v13+s11+$0x0], $0xffff  }
0x1c8: {  	v11 =	vor.u32 v6, v11;
	v39 =	vor.u32 $0xFFFFFF00, v33;
	v13 =	vmov v43;
	v26 =	vld.idx.msk [tilespmem:v26+s11+$0x0], $0xffff;
	[tilespmem:v22+s13+$0x0] =	vst.idx.msk $0xffff, v24  }
0x1c9: {  	v40 =	vor.u32 v2, v7;
	v22 =	vadd.s32 v17, v39;
	v24 =	vshll.u32 v33, $0x3;
	[tilespmem:v25+s13+$0x0] =	vst.idx.msk $0xffff, v21  }
0x1ca: {  	v25 =	vadd.s32 v18, v14;
	v23 =	vld.idx.msk [tilespmem:v23+s11+$0x0], $0xffff;
	[tilespmem:v36+s13+$0x0] =	vst.idx.msk $0xffff, v29;
	v29 =	vadd.s32 v10, v20  }
0x1cb: {  	v21 =	vand.u32 $0x7F, v33;
	v24 =	vand.u32 $0x400, v24;
	v33 =	vor.u32 v3, v27;
	v36 =	vld.idx.msk [tilespmem:v38+s11+$0x0], $0xffff;
	[tilespmem:v34+s13+$0x0] =	vst.idx.msk $0xffff, v28  }
0x1cc: {  	v28 =	vor.u32 v2, v32;
	v34 =	vadd.s32 v10, v9;
	v31 =	vld.idx.msk [tilespmem:v31+s11+$0x0], $0xffff;
	[tilespmem:v12+s13+$0x0] =	vst.idx.msk $0xffff, v37  }
0x1cd: {  	v38 =	vor.u32 v2, v30;
	v37 =	vadd.s32 v10, v8;
	v34 =	vand.u32 $0xFFFFFF80, v34;
	[tilespmem:v11+s13+$0x0] =	vst.idx.msk $0xffff, v35  }
0x1ce: {  	v21 =	vor.u32 v21, v24;
	v24 =	vor.u32 v13, v34;
	v22 =	vld.idx.msk [tilespmem:v22+s11+$0x0], $0xffff;
	[tilespmem:v40+s13+$0x0] =	vst.idx.msk $0xffff, v26  }
0x1cf: {  	v12 =	vmov v32;
	v11 =	vmov v30;
	v26 =	vor.u32 v1, v21;
	v29 =	vld.idx.msk [tilespmem:v29+s11+$0x0], $0xffff  }
0x1d0: {  	v30 =	vadd.s32 v15, v39;
	[tilespmem:v33+s13+$0x0] =	vst.idx.msk $0xffff, v23;
	v23 =	vor.u32 v3, v7  }
0x1d1: {  	v25 =	vld.idx.msk [tilespmem:v25+s11+$0x0], $0xffff;
	[tilespmem:v28+s13+$0x0] =	vst.idx.msk $0xffff, v36;
	v28 =	vadd.s32 v18, v20  }
0x1d2: {  	v32 =	vor.u32 v4, v27;
	v33 =	vld.idx.msk [tilespmem:v37+s11+$0x0], $0xffff;
	[tilespmem:v38+s13+$0x0] =	vst.idx.msk $0xffff, v31  }
0x1d3: {  	v34 =	vor.u32 v3, v12;
	v31 =	vadd.s32 v19, v14;
	v35 =	vld.idx.msk [tilespmem:v24+s11+$0x0], $0xffff;
	v24 =	vadd.s32 v18, v9  }
0x1d4: {  	v37 =	vor.u32 v3, v11;
	[tilespmem:v26+s13+$0x0] =	vst.idx.msk $0xffff, v22;
	v26 =	vadd.s32 v18, v8;
	v22 =	vand.u32 $0xFFFFFF80, v24  }
0x1d5: {  	v24 =	vadd.s32 v16, v14;
	v38 =	vld.idx.msk [tilespmem:v30+s11+$0x0], $0xffff;
	[tilespmem:v23+s13+$0x0] =	vst.idx.msk $0xffff, v29;
	v30 =	vor.u32 v13, v22  }
0x1d6: {  	s24 =	sadd.s32 $0x2, s23;
	v40 =	vor.u32 v2, v21;
	v23 =	vadd.s32 v10, v39;
	v22 =	vor.u32 v6, v27;
	v41 =	vld.idx.msk [tilespmem:v28+s11+$0x0], $0xffff  }
0x1d7: {  	v42 =	vadd.s32 s24, v0;
	v43 =	vor.u32 v4, v7;
	v28 =	vor.u32 v5, v27;
	[tilespmem:v32+s13+$0x0] =	vst.idx.msk $0xffff, v25  }
.Ltmp3:
0x1d8: {  	v36 =	vand.u32 $0x7F, v42;
	v14 =	vmov v39;
	v27 =	vadd.s32 v19, v20;
	v32 =	vld.idx.msk [tilespmem:v31+s11+$0x0], $0xffff;
	[tilespmem:v34+s13+$0x0] =	vst.idx.msk $0xffff, v33;
	(pc) =	sbr.rel @p0 .LBB2_9-.Ltmp3, $4  }
0x1d9: {  	v25 =	vadd.s32 v16, v20;
	v20 =	vor.u32 $0xFFFFFF00, v42;
	v31 =	vshll.u32 v42, $0x3;
	v29 =	vld.idx.msk [tilespmem:v26+s11+$0x0], $0xffff;
	[tilespmem:v37+s13+$0x0] =	vst.idx.msk $0xffff, v35  }
0x1da: {  	v34 =	vor.u32 v4, v12;
	v26 =	vadd.s32 v15, v20;
	v37 =	vadd.s32 v19, v9;
	v30 =	vld.idx.msk [tilespmem:v30+s11+$0x0], $0xffff  }
0x1db: {  	v33 =	vadd.s32 v19, v8;
	v35 =	vor.u32 v4, v11;
	v39 =	vand.u32 $0xFFFFFF80, v37;
	[tilespmem:v40+s13+$0x0] =	vst.idx.msk $0xffff, v38  }
0x1dc: {  	s24 =	sadd.s32 $0x3, s22;
	s23 =	sadd.s32 $0x4, s23;
	v37 =	vadd.s32 v17, v20;
	v38 =	vand.u32 $0x400, v31;
	v31 =	vor.u32 v13, v39;
	[tilespmem:v43+s13+$0x0] =	vst.idx.msk $0xffff, v41  }
0x1dd: {  	s22 =	sadd.s32 $0x1, s22;
	v39 =	vadd.s32 s24, v0  }
0x1de: {  	v40 =	vadd.s32 s22, v0;
	v41 =	vor.u32 $0xFFFFFF00, v39  }
0x1df: {  	v42 =	vor.u32 $0xFFFFFF00, v40;
	v43 =	vadd.s32 v17, v41  }
0x1e0: {  	v44 =	vand.u32 $0x7F, v39;
	v17 =	vadd.s32 v17, v42;
	v43 =	vand.u32 $0xFFFFFF80, v43  }
0x1e1: {  	v53 =	vor.u32 v44, v43  }
0x1e2: {  	v36 =	vor.u32 v36, v38;
	v45 =	vshll.u32 v40, $0x3  }
0x1e3: {  	[tilespmem:v28+s13+$0x0] =	vst.idx.msk $0xffff, v32;
	v39 =	vshll.u32 v39, $0x3;
	v40 =	vand.u32 $0x7F, v40;
	v45 =	vand.u32 $0x400, v45  }
0x1e4: {  	v28 =	vld.idx.msk [tilespmem:v37+s11+$0x0], $0xffff;
	v54 =	vor.u32 v1, v36;
	v56 =	vand.u32 $0x400, v39;
	v55 =	vor.u32 v40, v45  }
0x1e5: {  	v58 =	vadd.s32 v15, v41;
	v37 =	vor.u32 v44, v56;
	v57 =	vor.u32 v1, v55;
	v17 =	vld.idx.msk [tilespmem:v17+s11+$0x0], $0xffff  }
0x1e6: {  	v15 =	vadd.s32 v15, v42;
	v59 =	vor.u32 v1, v37;
	v40 =	vand.u32 $0xFFFFFF80, v58;
	v38 =	vld.idx.msk [tilespmem:v53+s11+$0x0], $0xffff  }
0x1e7: {  	[tilespmem:v34+s13+$0x0] =	vst.idx.msk $0xffff, v29;
	v29 =	vor.u32 v44, v40  }
0x1e8: {  	v27 =	vld.idx.msk [tilespmem:v27+s11+$0x0], $0xffff;
	[tilespmem:v35+s13+$0x0] =	vst.idx.msk $0xffff, v30;
	v30 =	vor.u32 v5, v7  }
0x1e9: {  	[tilespmem:v54+s13+$0x0] =	vst.idx.msk $0xffff, v28  }
0x1ea: {  	v62 =	vadd.s32 v10, v41;
	v28 =	vor.u32 v2, v36;
	v26 =	vld.idx.msk [tilespmem:v26+s11+$0x0], $0xffff;
	[tilespmem:v57+s13+$0x0] =	vst.idx.msk $0xffff, v17  }
0x1eb: {  	v61 =	vor.u32 v2, v55;
	v17 =	vadd.s32 v10, v20;
	v15 =	vld.idx.msk [tilespmem:v15+s11+$0x0], $0xffff;
	[tilespmem:v59+s13+$0x0] =	vst.idx.msk $0xffff, v38  }
0x1ec: {  	v63 =	vor.u32 v2, v37;
	v10 =	vadd.s32 v10, v42;
	v38 =	vand.u32 $0xFFFFFF80, v62;
	v29 =	vld.idx.msk [tilespmem:v29+s11+$0x0], $0xffff  }
0x1ed: {  	v24 =	vld.idx.msk [tilespmem:v24+s11+$0x0], $0xffff;
	[tilespmem:v30+s13+$0x0] =	vst.idx.msk $0xffff, v27;
	v27 =	vor.u32 v44, v38  }
0x1ee: {  	v23 =	vld.idx.msk [tilespmem:v23+s11+$0x0], $0xffff;
	v43 =	vor.u32 v3, v21;
	v45 =	vor.u32 v3, v37  }
0x1ef: {  	v40 =	vadd.s32 v18, v14;
	v30 =	vld.idx.msk [tilespmem:v31+s11+$0x0], $0xffff;
	v31 =	vor.u32 v5, v11;
	[tilespmem:v28+s13+$0x0] =	vst.idx.msk $0xffff, v26  }
0x1f0: {  	v26 =	vor.u32 v3, v36;
	v28 =	vor.u32 v3, v55;
	v17 =	vld.idx.msk [tilespmem:v17+s11+$0x0], $0xffff;
	[tilespmem:v61+s13+$0x0] =	vst.idx.msk $0xffff, v15  }
0x1f1: {  	v15 =	vadd.s32 v18, v20;
	v10 =	vld.idx.msk [tilespmem:v10+s11+$0x0], $0xffff;
	[tilespmem:v63+s13+$0x0] =	vst.idx.msk $0xffff, v29;
	v29 =	vadd.s32 v18, v41  }
0x1f2: {  	[tilespmem:v22+s13+$0x0] =	vst.idx.msk $0xffff, v24;
	v18 =	vadd.s32 v18, v42;
	v27 =	vld.idx.msk [tilespmem:v27+s11+$0x0], $0xffff;
	v29 =	vand.u32 $0xFFFFFF80, v29  }
0x1f3: {  	[tilespmem:v43+s13+$0x0] =	vst.idx.msk $0xffff, v23;
	v29 =	vor.u32 v44, v29  }
0x1f4: {  	v60 =	vor.u32 v5, v12;
	v9 =	vadd.s32 v16, v9;
	v33 =	vld.idx.msk [tilespmem:v33+s11+$0x0], $0xffff;
	[tilespmem:v31+s13+$0x0] =	vst.idx.msk $0xffff, v30  }
0x1f5: {  	v23 =	vld.idx.msk [tilespmem:v40+s11+$0x0], $0xffff;
	v30 =	vor.u32 v4, v21;
	v31 =	vadd.s32 v19, v14;
	[tilespmem:v26+s13+$0x0] =	vst.idx.msk $0xffff, v17  }
0x1f6: {  	v17 =	vor.u32 v4, v36;
	v26 =	vor.u32 v4, v55;
	v15 =	vld.idx.msk [tilespmem:v15+s11+$0x0], $0xffff;
	[tilespmem:v28+s13+$0x0] =	vst.idx.msk $0xffff, v10  }
0x1f7: {  	v10 =	vadd.s32 v19, v20;
	v18 =	vld.idx.msk [tilespmem:v18+s11+$0x0], $0xffff;
	[tilespmem:v45+s13+$0x0] =	vst.idx.msk $0xffff, v27;
	v27 =	vadd.s32 v19, v41  }
0x1f8: {  	v19 =	vadd.s32 v19, v42;
	v28 =	vld.idx.msk [tilespmem:v29+s11+$0x0], $0xffff;
	v29 =	vor.u32 v4, v37;
	v27 =	vand.u32 $0xFFFFFF80, v27  }
0x1f9: {  	v8 =	vadd.s32 v16, v8;
	v9 =	vand.u32 $0xFFFFFF80, v9;
	[tilespmem:v60+s13+$0x0] =	vst.idx.msk $0xffff, v33;
	v22 =	vor.u32 v44, v27  }
0x1fa: {  	v9 =	vor.u32 v13, v9;
	v7 =	vor.u32 v6, v7;
	v13 =	vld.idx.msk [tilespmem:v25+s11+$0x0], $0xffff;
	[tilespmem:v30+s13+$0x0] =	vst.idx.msk $0xffff, v23  }
0x1fb: {  	v14 =	vadd.s32 v16, v14;
	v23 =	vor.u32 v5, v21;
	v24 =	vld.idx.msk [tilespmem:v31+s11+$0x0], $0xffff;
	[tilespmem:v17+s13+$0x0] =	vst.idx.msk $0xffff, v15  }
0x1fc: {  	v15 =	vadd.s32 v16, v20;
	v17 =	vor.u32 v5, v36;
	v10 =	vld.idx.msk [tilespmem:v10+s11+$0x0], $0xffff;
	[tilespmem:v26+s13+$0x0] =	vst.idx.msk $0xffff, v18  }
0x1fd: {  	v20 =	vadd.s32 v16, v41;
	v18 =	vld.idx.msk [tilespmem:v19+s11+$0x0], $0xffff;
	[tilespmem:v29+s13+$0x0] =	vst.idx.msk $0xffff, v28;
	v19 =	vor.u32 v5, v55  }
0x1fe: {  	v25 =	vor.u32 v5, v37;
	v16 =	vadd.s32 v16, v42;
	v20 =	vand.u32 $0xFFFFFF80, v20;
	v22 =	vld.idx.msk [tilespmem:v22+s11+$0x0], $0xffff  }
0x1ff: {  	v12 =	vor.u32 v6, v12;
	v8 =	vld.idx.msk [tilespmem:v8+s11+$0x0], $0xffff;
	[tilespmem:v7+s13+$0x0] =	vst.idx.msk $0xffff, v13;
	v7 =	vor.u32 v44, v20  }
0x200: {  	v11 =	vor.u32 v6, v11;
	v9 =	vld.idx.msk [tilespmem:v9+s11+$0x0], $0xffff;
	[tilespmem:v23+s13+$0x0] =	vst.idx.msk $0xffff, v24  }
0x201: {  	v13 =	vor.u32 v6, v21;
	v14 =	vld.idx.msk [tilespmem:v14+s11+$0x0], $0xffff;
	[tilespmem:v17+s13+$0x0] =	vst.idx.msk $0xffff, v10  }
0x202: {  	v10 =	vld.idx.msk [tilespmem:v15+s11+$0x0], $0xffff;
	v15 =	vor.u32 v6, v36;
	[tilespmem:v19+s13+$0x0] =	vst.idx.msk $0xffff, v18  }
0x203: {  	v17 =	vor.u32 v6, v55;
	v16 =	vld.idx.msk [tilespmem:v16+s11+$0x0], $0xffff;
	[tilespmem:v25+s13+$0x0] =	vst.idx.msk $0xffff, v22  }
0x204: {  	[tilespmem:v12+s13+$0x0] =	vst.idx.msk $0xffff, v8;
	v8 =	vor.u32 v6, v37;
	v7 =	vld.idx.msk [tilespmem:v7+s11+$0x0], $0xffff  }
0x205: {  	[tilespmem:v11+s13+$0x0] =	vst.idx.msk $0xffff, v9  }
0x206: {  	[tilespmem:v13+s13+$0x0] =	vst.idx.msk $0xffff, v14  }
0x207: {  	s30 =	sadd.s32 s5, s21;
	[tilespmem:v15+s13+$0x0] =	vst.idx.msk $0xffff, v10  }
0x208: {  	s22 =	sshll.u32 s30, $0x5;
	[tilespmem:v17+s13+$0x0] =	vst.idx.msk $0xffff, v16  }
0x209: {  	s31 =	simm.s32 $0x0;
	s22 =	sadd.s32 s3, s22;
	[tilespmem:v8+s13+$0x0] =	vst.idx.msk $0xffff, v7  }
0x20a: {  	[hbm4b:s22+s31] =	stream.linear.scatter [tilespmem:s13], [sflag:$0x1], $0x6000, $0x38;
	[tilespmem:$0x1A480] =	vst v63  }
0x20b: {  	_ =	swait.ge [sflag:s17], $0x6000  }
0x20c: {  	[sflag:s17] =	ssyncset.done $0x0  }
0x20d: {  	[sflag:s17] =	ssyncadd.s32 $0xFFFFA000  }
0x20e: {  	v7 =	vld [tilespmem:s21+$0x60];
	_ =	sdelay $0x3  }
0x20f: {  	s23 =	sand.u32 $0x60, s21;
	v9 =	vadd.s32 s31, v0;
	s22 =	sand.u32 $0x1F80, s21  }
0x210: {  	v20 =	vor.u32 $0xFFFFFF00, v9;
	s25 =	sor.u32 s23, s22;
	v8 =	vld [tilespmem:s21+$0x70];
	v17 =	vshll.u32 v7, $0x8  }
0x211: {  	v7 =	vld [tilespmem:s25+$0x80];
	v11 =	vadd.s32 v17, v20;
	_ =	sdelay $0x1  }
0x212: {  	v10 =	vshll.u32 v9, $0x3  }
0x213: {  	s30 =	simm.s32 $0x1;
	v9 =	vand.u32 $0x7F, v9;
	v10 =	vand.u32 $0x400, v10  }
0x214: {  	s26 =	simm.s32 $0x2;
	v23 =	vadd.s32 s30, v0;
	v25 =	vor.u32 v9, v10;
	v15 =	vshll.u32 v8, $0x8  }
0x215: {  	s29 =	simm.s32 $0x3;
	v8 =	vadd.s32 s26, v0;
	v10 =	vshll.u32 v7, $0x8;
	v7 =	vor.u32 v1, v25;
	v11 =	vld.idx.msk [tilespmem:v11+s11+$0x0], $0xffff  }
0x216: {  	v19 =	vadd.s32 s29, v0;
	v12 =	vadd.s32 v15, v20;
	v26 =	vor.u32 $0xFFFFFF00, v8  }
0x217: {  	v9 =	vor.u32 $0xFFFFFF00, v19;
	v18 =	vand.u32 $0x7F, v8;
	v22 =	vadd.s32 v17, v26  }
0x218: {  	v21 =	vld [tilespmem:s21+$0x90];
	v27 =	vshll.u32 v8, $0x3;
	v8 =	vor.u32 $0xFFFFFF00, v23;
	v13 =	vadd.s32 v17, v9  }
0x219: {  	v14 =	vor.u32 v2, v25;
	v24 =	vld [tilespmem:s21+$0xA0];
	v29 =	vadd.s32 v17, v8;
	v30 =	vand.u32 $0xFFFFFF80, v13  }
0x21a: {  	v28 =	vld [tilespmem:s21+$0xB0];
	v13 =	vand.u32 $0x7F, v19;
	v46 =	vadd.s32 v15, v8;
	[tilespmem:v7+s14+$0x0] =	vst.idx.msk $0xffff, v11;
	v7 =	vand.u32 $0x400, v27  }
0x21b: {  	v11 =	vshll.u32 v23, $0x3;
	v27 =	vor.u32 v13, v30;
	v30 =	vld.idx.msk [tilespmem:v12+s11+$0x0], $0xffff;
	v7 =	vor.u32 v18, v7  }
0x21c: {  	v22 =	vld.idx.msk [tilespmem:v22+s11+$0x0], $0xffff;
	v12 =	vand.u32 $0x7F, v23;
	v11 =	vand.u32 $0x400, v11;
	v23 =	vor.u32 v1, v7  }
0x21d: {  	v12 =	vor.u32 v12, v11;
	v11 =	vshll.u32 v19, $0x3;
	v19 =	vadd.s32 v15, v26  }
0x21e: {  	v16 =	vadd.s32 v10, v20;
	v29 =	vld.idx.msk [tilespmem:v29+s11+$0x0], $0xffff;
	v31 =	vor.u32 v1, v12;
	v11 =	vand.u32 $0x400, v11  }
0x21f: {  	s25 =	simm.s32 $0x4;
	v50 =	vadd.s32 v10, v26;
	v18 =	vadd.s32 v15, v9;
	v11 =	vor.u32 v13, v11  }
0x220: {  	v47 =	vadd.s32 s25, v0;
	v18 =	vand.u32 $0xFFFFFF80, v18;
	v27 =	vld.idx.msk [tilespmem:v27+s11+$0x0], $0xffff;
	v48 =	vor.u32 v1, v11;
	[tilespmem:v14+s14+$0x0] =	vst.idx.msk $0xffff, v30  }
0x221: {  	v51 =	vadd.s32 v10, v9;
	v30 =	vor.u32 v13, v18;
	v14 =	vor.u32 $0xFFFFFF00, v47;
	[tilespmem:v23+s14+$0x0] =	vst.idx.msk $0xffff, v22  }
0x222: {  	v52 =	vadd.s32 v10, v8;
	v22 =	vadd.s32 v17, v14;
	v23 =	vor.u32 v2, v7;
	v19 =	vld.idx.msk [tilespmem:v19+s11+$0x0], $0xffff  }
0x223: {  	v18 =	vshll.u32 v21, $0x8;
	v16 =	vld.idx.msk [tilespmem:v16+s11+$0x0], $0xffff;
	[tilespmem:v31+s14+$0x0] =	vst.idx.msk $0xffff, v29;
	v31 =	vor.u32 v3, v25  }
0x224: {  	v33 =	vand.u32 $0xFFFFFF80, v51;
	v21 =	vshll.u32 v47, $0x3;
	v49 =	vadd.s32 v18, v20  }
0x225: {  	v21 =	vand.u32 $0x400, v21;
	v29 =	vand.u32 $0x7F, v47;
	v32 =	vld.idx.msk [tilespmem:v46+s11+$0x0], $0xffff;
	[tilespmem:v48+s14+$0x0] =	vst.idx.msk $0xffff, v27;
	v27 =	vor.u32 v2, v12  }
0x226: {  	v56 =	vor.u32 v3, v12;
	v53 =	vor.u32 v2, v11;
	v21 =	vor.u32 v29, v21;
	v30 =	vld.idx.msk [tilespmem:v30+s11+$0x0], $0xffff  }
0x227: {  	v29 =	vor.u32 v13, v33;
	v22 =	vld.idx.msk [tilespmem:v22+s11+$0x0], $0xffff;
	[tilespmem:v23+s14+$0x0] =	vst.idx.msk $0xffff, v19;
	v23 =	vor.u32 v1, v21  }
0x228: {  	v58 =	vor.u32 v3, v11;
	[tilespmem:v31+s14+$0x0] =	vst.idx.msk $0xffff, v16;
	v31 =	vor.u32 v3, v7;
	v54 =	vld.idx.msk [tilespmem:v50+s11+$0x0], $0xffff  }
0x229: {  	v55 =	vadd.s32 v15, v14;
	v19 =	vshll.u32 v24, $0x8;
	v16 =	vshll.u32 v28, $0x8  }
0x22a: {  	v28 =	vor.u32 v4, v25;
	v35 =	vld.idx.msk [tilespmem:v49+s11+$0x0], $0xffff;
	[tilespmem:v27+s14+$0x0] =	vst.idx.msk $0xffff, v32;
	v27 =	vadd.s32 v18, v26  }
0x22b: {  	s31 =	simm.s32 $0x6;
	v24 =	vadd.s32 v18, v9;
	v34 =	vld.idx.msk [tilespmem:v52+s11+$0x0], $0xffff;
	[tilespmem:v53+s14+$0x0] =	vst.idx.msk $0xffff, v30;
	v30 =	vadd.s32 v19, v20  }
0x22c: {  	v62 =	vadd.s32 s31, v0;
	v57 =	vld.idx.msk [tilespmem:v29+s11+$0x0], $0xffff;
	v29 =	vadd.s32 v18, v8;
	[tilespmem:v23+s14+$0x0] =	vst.idx.msk $0xffff, v22;
	v22 =	vand.u32 $0xFFFFFF80, v24  }
0x22d: {  	v36 =	vand.u32 $0x7F, v62;
	[tilespmem:v31+s14+$0x0] =	vst.idx.msk $0xffff, v54;
	v31 =	vor.u32 v13, v22  }
0x22e: {  	v63 =	vor.u32 v4, v7;
	v60 =	vor.u32 v2, v21;
	v33 =	vadd.s32 v19, v8;
	v59 =	vld.idx.msk [tilespmem:v55+s11+$0x0], $0xffff  }
0x22f: {  	v24 =	vadd.s32 v16, v20;
	v23 =	vadd.s32 v10, v14;
	[tilespmem:v28+s14+$0x0] =	vst.idx.msk $0xffff, v35;
	v61 =	vld.idx.msk [tilespmem:v27+s11+$0x0], $0xffff  }
0x230: {  	v42 =	vshll.u32 v62, $0x3;
	v20 =	vor.u32 $0xFFFFFF00, v62;
	v27 =	vadd.s32 v19, v26;
	v32 =	vld.idx.msk [tilespmem:v30+s11+$0x0], $0xffff;
	[tilespmem:v56+s14+$0x0] =	vst.idx.msk $0xffff, v34  }
0x231: {  	v22 =	vor.u32 v6, v25;
	v28 =	vor.u32 v5, v25;
	v29 =	vld.idx.msk [tilespmem:v29+s11+$0x0], $0xffff;
	[tilespmem:v58+s14+$0x0] =	vst.idx.msk $0xffff, v57  }
0x232: {  	v25 =	vadd.s32 v16, v26;
	v34 =	vor.u32 v4, v12;
	v30 =	vld.idx.msk [tilespmem:v31+s11+$0x0], $0xffff;
	v31 =	vadd.s32 v19, v9  }
0x233: {  	v35 =	vor.u32 v4, v11;
	v37 =	vadd.s32 v17, v20;
	[tilespmem:v60+s14+$0x0] =	vst.idx.msk $0xffff, v59;
	v31 =	vand.u32 $0xFFFFFF80, v31  }
0x234: {  	s24 =	sadd.s32 $0x60, s21;
	s28 =	simm.s32 $0x7;
	v38 =	vand.u32 $0x400, v42;
	s26 =	simm.s32 $0x8;
	v26 =	vadd.s32 v15, v20;
	[tilespmem:v63+s14+$0x0] =	vst.idx.msk $0xffff, v61;
	v31 =	vor.u32 v13, v31  }
.LBB2_11:
0x235: {  	p0 =	slt.u32 s26, $0xFC;
	s29 =	sadd.s32 $0x1, s25;
	v36 =	vor.u32 v36, v38;
	v38 =	vadd.s32 s28, v0;
	v39 =	vld.idx.msk [tilespmem:v27+s11+$0x0], $0xffff;
	v40 =	vor.u32 v5, v7;
	v27 =	vmovc v21;
	s25 =	smov.u32 s26  }
0x236: {  	v21 =	vadd.s32 s29, v0;
	v41 =	vor.u32 v1, v36;
	v42 =	vor.u32 $0xFFFFFF00, v38;
	[tilespmem:v28+s14+$0x0] =	vst.idx.msk $0xffff, v32  }
0x237: {  	v28 =	vor.u32 $0xFFFFFF00, v21;
	v32 =	vshll.u32 v21, $0x3;
	v43 =	vadd.s32 v17, v42;
	[tilespmem:v34+s14+$0x0] =	vst.idx.msk $0xffff, v29  }
0x238: {  	v29 =	vadd.s32 v17, v28;
	v34 =	vand.u32 $0xFFFFFF80, v43;
	v43 =	vand.u32 $0x7F, v38;
	v33 =	vld.idx.msk [tilespmem:v33+s11+$0x0], $0xffff;
	[tilespmem:v35+s14+$0x0] =	vst.idx.msk $0xffff, v30  }
0x239: {  	v45 =	vadd.s32 v16, v9;
	v30 =	vor.u32 v43, v34;
	v34 =	vor.u32 v5, v12;
	v31 =	vld.idx.msk [tilespmem:v31+s11+$0x0], $0xffff  }
0x23a: {  	v44 =	vor.u32 v5, v11;
	v9 =	vmovc v42;
	v35 =	vld.idx.msk [tilespmem:v37+s11+$0x0], $0xffff;
	v37 =	vadd.s32 v16, v8;
	v8 =	vand.u32 $0xFFFFFF80, v45  }
0x23b: {  	v21 =	vand.u32 $0x7F, v21;
	v32 =	vand.u32 $0x400, v32;
	v24 =	vld.idx.msk [tilespmem:v24+s11+$0x0], $0xffff;
	[tilespmem:v40+s14+$0x0] =	vst.idx.msk $0xffff, v39;
	v13 =	vor.u32 v13, v8  }
0x23c: {  	v32 =	vor.u32 v21, v32;
	v40 =	vshll.u32 v38, $0x3;
	v21 =	vld.idx.msk [tilespmem:v25+s11+$0x0], $0xffff;
	v25 =	vor.u32 v6, v7;
	v7 =	vmovc v36  }
0x23d: {  	v38 =	vadd.s32 v15, v28;
	v36 =	vor.u32 v1, v32;
	v39 =	vand.u32 $0x400, v40;
	v29 =	vld.idx.msk [tilespmem:v29+s11+$0x0], $0xffff;
	v8 =	vmovc v28  }
0x23e: {  	v28 =	vld.idx.msk [tilespmem:v30+s11+$0x0], $0xffff;
	v30 =	vor.u32 v43, v39;
	v39 =	vadd.s32 v15, v9;
	[tilespmem:v34+s14+$0x0] =	vst.idx.msk $0xffff, v33  }
0x23f: {  	v33 =	vadd.s32 s26, v0;
	v34 =	vor.u32 v1, v30;
	v39 =	vand.u32 $0xFFFFFF80, v39;
	v37 =	vld.idx.msk [tilespmem:v37+s11+$0x0], $0xffff;
	[tilespmem:v44+s14+$0x0] =	vst.idx.msk $0xffff, v31  }
0x240: {  	v12 =	vor.u32 v6, v12;
	[tilespmem:v41+s14+$0x0] =	vst.idx.msk $0xffff, v35;
	v31 =	vor.u32 v43, v39;
	v35 =	vld.idx.msk [tilespmem:v13+s11+$0x0], $0xffff  }
0x241: {  	v11 =	vor.u32 v6, v11;
	v39 =	vor.u32 $0xFFFFFF00, v33;
	v13 =	vmov v43;
	v26 =	vld.idx.msk [tilespmem:v26+s11+$0x0], $0xffff;
	[tilespmem:v22+s14+$0x0] =	vst.idx.msk $0xffff, v24  }
0x242: {  	v40 =	vor.u32 v2, v7;
	v22 =	vadd.s32 v17, v39;
	v24 =	vshll.u32 v33, $0x3;
	[tilespmem:v25+s14+$0x0] =	vst.idx.msk $0xffff, v21  }
0x243: {  	v25 =	vadd.s32 v18, v14;
	v23 =	vld.idx.msk [tilespmem:v23+s11+$0x0], $0xffff;
	[tilespmem:v36+s14+$0x0] =	vst.idx.msk $0xffff, v29;
	v29 =	vadd.s32 v10, v20  }
0x244: {  	v21 =	vand.u32 $0x7F, v33;
	v24 =	vand.u32 $0x400, v24;
	v33 =	vor.u32 v3, v27;
	v36 =	vld.idx.msk [tilespmem:v38+s11+$0x0], $0xffff;
	[tilespmem:v34+s14+$0x0] =	vst.idx.msk $0xffff, v28  }
0x245: {  	v28 =	vor.u32 v2, v32;
	v34 =	vadd.s32 v10, v9;
	v31 =	vld.idx.msk [tilespmem:v31+s11+$0x0], $0xffff;
	[tilespmem:v12+s14+$0x0] =	vst.idx.msk $0xffff, v37  }
0x246: {  	v38 =	vor.u32 v2, v30;
	v37 =	vadd.s32 v10, v8;
	v34 =	vand.u32 $0xFFFFFF80, v34;
	[tilespmem:v11+s14+$0x0] =	vst.idx.msk $0xffff, v35  }
0x247: {  	v21 =	vor.u32 v21, v24;
	v24 =	vor.u32 v13, v34;
	v22 =	vld.idx.msk [tilespmem:v22+s11+$0x0], $0xffff;
	[tilespmem:v40+s14+$0x0] =	vst.idx.msk $0xffff, v26  }
0x248: {  	v12 =	vmov v32;
	v11 =	vmov v30;
	v26 =	vor.u32 v1, v21;
	v29 =	vld.idx.msk [tilespmem:v29+s11+$0x0], $0xffff  }
0x249: {  	v30 =	vadd.s32 v15, v39;
	[tilespmem:v33+s14+$0x0] =	vst.idx.msk $0xffff, v23;
	v23 =	vor.u32 v3, v7  }
0x24a: {  	v25 =	vld.idx.msk [tilespmem:v25+s11+$0x0], $0xffff;
	[tilespmem:v28+s14+$0x0] =	vst.idx.msk $0xffff, v36;
	v28 =	vadd.s32 v18, v20  }
0x24b: {  	v32 =	vor.u32 v4, v27;
	v33 =	vld.idx.msk [tilespmem:v37+s11+$0x0], $0xffff;
	[tilespmem:v38+s14+$0x0] =	vst.idx.msk $0xffff, v31  }
0x24c: {  	v34 =	vor.u32 v3, v12;
	v31 =	vadd.s32 v19, v14;
	v35 =	vld.idx.msk [tilespmem:v24+s11+$0x0], $0xffff;
	v24 =	vadd.s32 v18, v9  }
0x24d: {  	v37 =	vor.u32 v3, v11;
	[tilespmem:v26+s14+$0x0] =	vst.idx.msk $0xffff, v22;
	v26 =	vadd.s32 v18, v8;
	v22 =	vand.u32 $0xFFFFFF80, v24  }
0x24e: {  	v24 =	vadd.s32 v16, v14;
	v38 =	vld.idx.msk [tilespmem:v30+s11+$0x0], $0xffff;
	[tilespmem:v23+s14+$0x0] =	vst.idx.msk $0xffff, v29;
	v30 =	vor.u32 v13, v22  }
0x24f: {  	s28 =	sadd.s32 $0x2, s26;
	v40 =	vor.u32 v2, v21;
	v23 =	vadd.s32 v10, v39;
	v22 =	vor.u32 v6, v27;
	v41 =	vld.idx.msk [tilespmem:v28+s11+$0x0], $0xffff  }
0x250: {  	v42 =	vadd.s32 s28, v0;
	v43 =	vor.u32 v4, v7;
	v28 =	vor.u32 v5, v27;
	[tilespmem:v32+s14+$0x0] =	vst.idx.msk $0xffff, v25  }
.Ltmp4:
0x251: {  	v36 =	vand.u32 $0x7F, v42;
	v14 =	vmov v39;
	v27 =	vadd.s32 v19, v20;
	v32 =	vld.idx.msk [tilespmem:v31+s11+$0x0], $0xffff;
	[tilespmem:v34+s14+$0x0] =	vst.idx.msk $0xffff, v33;
	(pc) =	sbr.rel @p0 .LBB2_11-.Ltmp4, $4  }
0x252: {  	v25 =	vadd.s32 v16, v20;
	v20 =	vor.u32 $0xFFFFFF00, v42;
	v31 =	vshll.u32 v42, $0x3;
	v29 =	vld.idx.msk [tilespmem:v26+s11+$0x0], $0xffff;
	[tilespmem:v37+s14+$0x0] =	vst.idx.msk $0xffff, v35  }
0x253: {  	v34 =	vor.u32 v4, v12;
	v26 =	vadd.s32 v15, v20;
	v37 =	vadd.s32 v19, v9;
	v30 =	vld.idx.msk [tilespmem:v30+s11+$0x0], $0xffff  }
0x254: {  	v33 =	vadd.s32 v19, v8;
	v35 =	vor.u32 v4, v11;
	v39 =	vand.u32 $0xFFFFFF80, v37;
	[tilespmem:v40+s14+$0x0] =	vst.idx.msk $0xffff, v38  }
0x255: {  	s28 =	sadd.s32 $0x3, s25;
	s26 =	sadd.s32 $0x4, s26;
	v37 =	vadd.s32 v17, v20;
	v38 =	vand.u32 $0x400, v31;
	v31 =	vor.u32 v13, v39;
	[tilespmem:v43+s14+$0x0] =	vst.idx.msk $0xffff, v41  }
0x256: {  	s25 =	sadd.s32 $0x1, s25;
	v39 =	vadd.s32 s28, v0  }
0x257: {  	v40 =	vadd.s32 s25, v0;
	v41 =	vor.u32 $0xFFFFFF00, v39  }
0x258: {  	v42 =	vor.u32 $0xFFFFFF00, v40;
	v43 =	vadd.s32 v17, v41  }
0x259: {  	v44 =	vand.u32 $0x7F, v39;
	v17 =	vadd.s32 v17, v42;
	v43 =	vand.u32 $0xFFFFFF80, v43  }
0x25a: {  	v53 =	vor.u32 v44, v43  }
0x25b: {  	v36 =	vor.u32 v36, v38;
	v45 =	vshll.u32 v40, $0x3  }
0x25c: {  	[tilespmem:v28+s14+$0x0] =	vst.idx.msk $0xffff, v32;
	v39 =	vshll.u32 v39, $0x3;
	v40 =	vand.u32 $0x7F, v40;
	v45 =	vand.u32 $0x400, v45  }
0x25d: {  	v28 =	vld.idx.msk [tilespmem:v37+s11+$0x0], $0xffff;
	v54 =	vor.u32 v1, v36;
	v56 =	vand.u32 $0x400, v39;
	v55 =	vor.u32 v40, v45  }
0x25e: {  	v58 =	vadd.s32 v15, v41;
	v37 =	vor.u32 v44, v56;
	v57 =	vor.u32 v1, v55;
	v17 =	vld.idx.msk [tilespmem:v17+s11+$0x0], $0xffff  }
0x25f: {  	v15 =	vadd.s32 v15, v42;
	v59 =	vor.u32 v1, v37;
	v40 =	vand.u32 $0xFFFFFF80, v58;
	v38 =	vld.idx.msk [tilespmem:v53+s11+$0x0], $0xffff  }
0x260: {  	[tilespmem:v34+s14+$0x0] =	vst.idx.msk $0xffff, v29;
	v29 =	vor.u32 v44, v40  }
0x261: {  	v27 =	vld.idx.msk [tilespmem:v27+s11+$0x0], $0xffff;
	[tilespmem:v35+s14+$0x0] =	vst.idx.msk $0xffff, v30;
	v30 =	vor.u32 v5, v7  }
0x262: {  	[tilespmem:v54+s14+$0x0] =	vst.idx.msk $0xffff, v28  }
0x263: {  	v62 =	vadd.s32 v10, v41;
	v28 =	vor.u32 v2, v36;
	v26 =	vld.idx.msk [tilespmem:v26+s11+$0x0], $0xffff;
	[tilespmem:v57+s14+$0x0] =	vst.idx.msk $0xffff, v17  }
0x264: {  	v61 =	vor.u32 v2, v55;
	v17 =	vadd.s32 v10, v20;
	v15 =	vld.idx.msk [tilespmem:v15+s11+$0x0], $0xffff;
	[tilespmem:v59+s14+$0x0] =	vst.idx.msk $0xffff, v38  }
0x265: {  	v63 =	vor.u32 v2, v37;
	v10 =	vadd.s32 v10, v42;
	v38 =	vand.u32 $0xFFFFFF80, v62;
	v29 =	vld.idx.msk [tilespmem:v29+s11+$0x0], $0xffff  }
0x266: {  	v24 =	vld.idx.msk [tilespmem:v24+s11+$0x0], $0xffff;
	[tilespmem:v30+s14+$0x0] =	vst.idx.msk $0xffff, v27;
	v27 =	vor.u32 v44, v38  }
0x267: {  	v23 =	vld.idx.msk [tilespmem:v23+s11+$0x0], $0xffff;
	v43 =	vor.u32 v3, v21;
	v45 =	vor.u32 v3, v37  }
0x268: {  	v40 =	vadd.s32 v18, v14;
	v30 =	vld.idx.msk [tilespmem:v31+s11+$0x0], $0xffff;
	v31 =	vor.u32 v5, v11;
	[tilespmem:v28+s14+$0x0] =	vst.idx.msk $0xffff, v26  }
0x269: {  	v26 =	vor.u32 v3, v36;
	v28 =	vor.u32 v3, v55;
	v17 =	vld.idx.msk [tilespmem:v17+s11+$0x0], $0xffff;
	[tilespmem:v61+s14+$0x0] =	vst.idx.msk $0xffff, v15  }
0x26a: {  	v15 =	vadd.s32 v18, v20;
	v10 =	vld.idx.msk [tilespmem:v10+s11+$0x0], $0xffff;
	[tilespmem:v63+s14+$0x0] =	vst.idx.msk $0xffff, v29;
	v29 =	vadd.s32 v18, v41  }
0x26b: {  	[tilespmem:v22+s14+$0x0] =	vst.idx.msk $0xffff, v24;
	v18 =	vadd.s32 v18, v42;
	v27 =	vld.idx.msk [tilespmem:v27+s11+$0x0], $0xffff;
	v29 =	vand.u32 $0xFFFFFF80, v29  }
0x26c: {  	[tilespmem:v43+s14+$0x0] =	vst.idx.msk $0xffff, v23;
	v29 =	vor.u32 v44, v29  }
0x26d: {  	v60 =	vor.u32 v5, v12;
	v9 =	vadd.s32 v16, v9;
	v33 =	vld.idx.msk [tilespmem:v33+s11+$0x0], $0xffff;
	[tilespmem:v31+s14+$0x0] =	vst.idx.msk $0xffff, v30  }
0x26e: {  	v23 =	vld.idx.msk [tilespmem:v40+s11+$0x0], $0xffff;
	v30 =	vor.u32 v4, v21;
	v31 =	vadd.s32 v19, v14;
	[tilespmem:v26+s14+$0x0] =	vst.idx.msk $0xffff, v17  }
0x26f: {  	v17 =	vor.u32 v4, v36;
	v26 =	vor.u32 v4, v55;
	v15 =	vld.idx.msk [tilespmem:v15+s11+$0x0], $0xffff;
	[tilespmem:v28+s14+$0x0] =	vst.idx.msk $0xffff, v10  }
0x270: {  	v10 =	vadd.s32 v19, v20;
	v18 =	vld.idx.msk [tilespmem:v18+s11+$0x0], $0xffff;
	[tilespmem:v45+s14+$0x0] =	vst.idx.msk $0xffff, v27;
	v27 =	vadd.s32 v19, v41  }
0x271: {  	v19 =	vadd.s32 v19, v42;
	v28 =	vld.idx.msk [tilespmem:v29+s11+$0x0], $0xffff;
	v29 =	vor.u32 v4, v37;
	v27 =	vand.u32 $0xFFFFFF80, v27  }
0x272: {  	v8 =	vadd.s32 v16, v8;
	v9 =	vand.u32 $0xFFFFFF80, v9;
	[tilespmem:v60+s14+$0x0] =	vst.idx.msk $0xffff, v33;
	v22 =	vor.u32 v44, v27  }
0x273: {  	v9 =	vor.u32 v13, v9;
	v7 =	vor.u32 v6, v7;
	v13 =	vld.idx.msk [tilespmem:v25+s11+$0x0], $0xffff;
	[tilespmem:v30+s14+$0x0] =	vst.idx.msk $0xffff, v23  }
0x274: {  	v14 =	vadd.s32 v16, v14;
	v23 =	vor.u32 v5, v21;
	v24 =	vld.idx.msk [tilespmem:v31+s11+$0x0], $0xffff;
	[tilespmem:v17+s14+$0x0] =	vst.idx.msk $0xffff, v15  }
0x275: {  	v15 =	vadd.s32 v16, v20;
	v17 =	vor.u32 v5, v36;
	v10 =	vld.idx.msk [tilespmem:v10+s11+$0x0], $0xffff;
	[tilespmem:v26+s14+$0x0] =	vst.idx.msk $0xffff, v18  }
0x276: {  	v20 =	vadd.s32 v16, v41;
	v18 =	vld.idx.msk [tilespmem:v19+s11+$0x0], $0xffff;
	[tilespmem:v29+s14+$0x0] =	vst.idx.msk $0xffff, v28;
	v19 =	vor.u32 v5, v55  }
0x277: {  	v25 =	vor.u32 v5, v37;
	v16 =	vadd.s32 v16, v42;
	v20 =	vand.u32 $0xFFFFFF80, v20;
	v22 =	vld.idx.msk [tilespmem:v22+s11+$0x0], $0xffff  }
0x278: {  	v12 =	vor.u32 v6, v12;
	v8 =	vld.idx.msk [tilespmem:v8+s11+$0x0], $0xffff;
	[tilespmem:v7+s14+$0x0] =	vst.idx.msk $0xffff, v13;
	v7 =	vor.u32 v44, v20  }
0x279: {  	v11 =	vor.u32 v6, v11;
	v9 =	vld.idx.msk [tilespmem:v9+s11+$0x0], $0xffff;
	[tilespmem:v23+s14+$0x0] =	vst.idx.msk $0xffff, v24  }
0x27a: {  	v13 =	vor.u32 v6, v21;
	v14 =	vld.idx.msk [tilespmem:v14+s11+$0x0], $0xffff;
	[tilespmem:v17+s14+$0x0] =	vst.idx.msk $0xffff, v10  }
0x27b: {  	v10 =	vld.idx.msk [tilespmem:v15+s11+$0x0], $0xffff;
	v15 =	vor.u32 v6, v36;
	[tilespmem:v19+s14+$0x0] =	vst.idx.msk $0xffff, v18  }
0x27c: {  	v17 =	vor.u32 v6, v55;
	v16 =	vld.idx.msk [tilespmem:v16+s11+$0x0], $0xffff;
	[tilespmem:v25+s14+$0x0] =	vst.idx.msk $0xffff, v22  }
0x27d: {  	[tilespmem:v12+s14+$0x0] =	vst.idx.msk $0xffff, v8;
	v8 =	vor.u32 v6, v37;
	v7 =	vld.idx.msk [tilespmem:v7+s11+$0x0], $0xffff  }
0x27e: {  	[tilespmem:v11+s14+$0x0] =	vst.idx.msk $0xffff, v9  }
0x27f: {  	[tilespmem:v13+s14+$0x0] =	vst.idx.msk $0xffff, v14  }
0x280: {  	s24 =	sadd.s32 s5, s24;
	[tilespmem:v15+s14+$0x0] =	vst.idx.msk $0xffff, v10  }
0x281: {  	s24 =	sshll.u32 s24, $0x5;
	[tilespmem:v17+s14+$0x0] =	vst.idx.msk $0xffff, v16  }
0x282: {  	s26 =	simm.s32 $0x0;
	s24 =	sadd.s32 s3, s24;
	[tilespmem:v8+s14+$0x0] =	vst.idx.msk $0xffff, v7  }
0x283: {  	[hbm4b:s24+s26] =	stream.linear.scatter [tilespmem:s14], [sflag:$0x2], $0x6000, $0x38;
	[tilespmem:$0x1A480] =	vst v63  }
0x284: {  	_ =	swait.ge [sflag:s18], $0x6000  }
0x285: {  	[sflag:s18] =	ssyncset.done $0x0  }
0x286: {  	[sflag:s18] =	ssyncadd.s32 $0xFFFFA000  }
0x287: {  	v7 =	vld [tilespmem:s21+$0xC0];
	_ =	sdelay $0x3  }
0x288: {  	v9 =	vadd.s32 s26, v0  }
0x289: {  	v20 =	vor.u32 $0xFFFFFF00, v9;
	v8 =	vld [tilespmem:s21+$0xD0];
	v17 =	vshll.u32 v7, $0x8  }
0x28a: {  	v7 =	vld [tilespmem:s21+$0xE0];
	v11 =	vadd.s32 v17, v20;
	_ =	sdelay $0x1  }
0x28b: {  	v10 =	vshll.u32 v9, $0x3  }
0x28c: {  	s30 =	simm.s32 $0x1;
	v9 =	vand.u32 $0x7F, v9;
	v10 =	vand.u32 $0x400, v10  }
0x28d: {  	s28 =	simm.s32 $0x2;
	v23 =	vadd.s32 s30, v0;
	v25 =	vor.u32 v9, v10;
	v15 =	vshll.u32 v8, $0x8  }
0x28e: {  	s29 =	simm.s32 $0x3;
	v8 =	vadd.s32 s28, v0;
	v10 =	vshll.u32 v7, $0x8;
	v7 =	vor.u32 v1, v25;
	v11 =	vld.idx.msk [tilespmem:v11+s11+$0x0], $0xffff  }
0x28f: {  	v19 =	vadd.s32 s29, v0;
	v12 =	vadd.s32 v15, v20;
	v26 =	vor.u32 $0xFFFFFF00, v8  }
0x290: {  	v9 =	vor.u32 $0xFFFFFF00, v19;
	v18 =	vand.u32 $0x7F, v8;
	v22 =	vadd.s32 v17, v26  }
0x291: {  	s22 =	sadd.s32 s23, s22;
	v21 =	vld [tilespmem:s21+$0xF0];
	v27 =	vshll.u32 v8, $0x3;
	v8 =	vor.u32 $0xFFFFFF00, v23;
	v13 =	vadd.s32 v17, v9  }
0x292: {  	v14 =	vor.u32 v2, v25;
	v24 =	vld [tilespmem:s22+$0x100];
	v29 =	vadd.s32 v17, v8;
	v30 =	vand.u32 $0xFFFFFF80, v13  }
0x293: {  	v28 =	vld [tilespmem:s21+$0x110];
	v13 =	vand.u32 $0x7F, v19;
	v46 =	vadd.s32 v15, v8;
	[tilespmem:v7+s15+$0x0] =	vst.idx.msk $0xffff, v11;
	v7 =	vand.u32 $0x400, v27  }
0x294: {  	v11 =	vshll.u32 v23, $0x3;
	v27 =	vor.u32 v13, v30;
	v30 =	vld.idx.msk [tilespmem:v12+s11+$0x0], $0xffff;
	v7 =	vor.u32 v18, v7  }
0x295: {  	v22 =	vld.idx.msk [tilespmem:v22+s11+$0x0], $0xffff;
	v12 =	vand.u32 $0x7F, v23;
	v11 =	vand.u32 $0x400, v11;
	v23 =	vor.u32 v1, v7  }
0x296: {  	v12 =	vor.u32 v12, v11;
	v11 =	vshll.u32 v19, $0x3;
	v19 =	vadd.s32 v15, v26  }
0x297: {  	v16 =	vadd.s32 v10, v20;
	v29 =	vld.idx.msk [tilespmem:v29+s11+$0x0], $0xffff;
	v31 =	vor.u32 v1, v12;
	v11 =	vand.u32 $0x400, v11  }
0x298: {  	s22 =	simm.s32 $0x4;
	v50 =	vadd.s32 v10, v26;
	v18 =	vadd.s32 v15, v9;
	v11 =	vor.u32 v13, v11  }
0x299: {  	v47 =	vadd.s32 s22, v0;
	v18 =	vand.u32 $0xFFFFFF80, v18;
	v27 =	vld.idx.msk [tilespmem:v27+s11+$0x0], $0xffff;
	v48 =	vor.u32 v1, v11;
	[tilespmem:v14+s15+$0x0] =	vst.idx.msk $0xffff, v30  }
0x29a: {  	v51 =	vadd.s32 v10, v9;
	v30 =	vor.u32 v13, v18;
	v14 =	vor.u32 $0xFFFFFF00, v47;
	[tilespmem:v23+s15+$0x0] =	vst.idx.msk $0xffff, v22  }
0x29b: {  	v52 =	vadd.s32 v10, v8;
	v22 =	vadd.s32 v17, v14;
	v23 =	vor.u32 v2, v7;
	v19 =	vld.idx.msk [tilespmem:v19+s11+$0x0], $0xffff  }
0x29c: {  	v18 =	vshll.u32 v21, $0x8;
	v16 =	vld.idx.msk [tilespmem:v16+s11+$0x0], $0xffff;
	[tilespmem:v31+s15+$0x0] =	vst.idx.msk $0xffff, v29;
	v31 =	vor.u32 v3, v25  }
0x29d: {  	v33 =	vand.u32 $0xFFFFFF80, v51;
	v21 =	vshll.u32 v47, $0x3;
	v49 =	vadd.s32 v18, v20  }
0x29e: {  	v21 =	vand.u32 $0x400, v21;
	v29 =	vand.u32 $0x7F, v47;
	v32 =	vld.idx.msk [tilespmem:v46+s11+$0x0], $0xffff;
	[tilespmem:v48+s15+$0x0] =	vst.idx.msk $0xffff, v27;
	v27 =	vor.u32 v2, v12  }
0x29f: {  	v56 =	vor.u32 v3, v12;
	v53 =	vor.u32 v2, v11;
	v21 =	vor.u32 v29, v21;
	v30 =	vld.idx.msk [tilespmem:v30+s11+$0x0], $0xffff  }
0x2a0: {  	v29 =	vor.u32 v13, v33;
	v22 =	vld.idx.msk [tilespmem:v22+s11+$0x0], $0xffff;
	[tilespmem:v23+s15+$0x0] =	vst.idx.msk $0xffff, v19;
	v23 =	vor.u32 v1, v21  }
0x2a1: {  	v58 =	vor.u32 v3, v11;
	[tilespmem:v31+s15+$0x0] =	vst.idx.msk $0xffff, v16;
	v31 =	vor.u32 v3, v7;
	v54 =	vld.idx.msk [tilespmem:v50+s11+$0x0], $0xffff  }
0x2a2: {  	v55 =	vadd.s32 v15, v14;
	v19 =	vshll.u32 v24, $0x8;
	v16 =	vshll.u32 v28, $0x8  }
0x2a3: {  	v28 =	vor.u32 v4, v25;
	v35 =	vld.idx.msk [tilespmem:v49+s11+$0x0], $0xffff;
	[tilespmem:v27+s15+$0x0] =	vst.idx.msk $0xffff, v32;
	v27 =	vadd.s32 v18, v26  }
0x2a4: {  	s31 =	simm.s32 $0x6;
	v24 =	vadd.s32 v18, v9;
	v34 =	vld.idx.msk [tilespmem:v52+s11+$0x0], $0xffff;
	[tilespmem:v53+s15+$0x0] =	vst.idx.msk $0xffff, v30;
	v30 =	vadd.s32 v19, v20  }
0x2a5: {  	v62 =	vadd.s32 s31, v0;
	v57 =	vld.idx.msk [tilespmem:v29+s11+$0x0], $0xffff;
	v29 =	vadd.s32 v18, v8;
	[tilespmem:v23+s15+$0x0] =	vst.idx.msk $0xffff, v22;
	v22 =	vand.u32 $0xFFFFFF80, v24  }
0x2a6: {  	v42 =	vshll.u32 v62, $0x3;
	[tilespmem:v31+s15+$0x0] =	vst.idx.msk $0xffff, v54;
	v31 =	vor.u32 v13, v22  }
0x2a7: {  	v63 =	vor.u32 v4, v7;
	v60 =	vor.u32 v2, v21;
	v33 =	vadd.s32 v19, v8;
	v59 =	vld.idx.msk [tilespmem:v55+s11+$0x0], $0xffff  }
0x2a8: {  	v24 =	vadd.s32 v16, v20;
	v23 =	vadd.s32 v10, v14;
	[tilespmem:v28+s15+$0x0] =	vst.idx.msk $0xffff, v35;
	v61 =	vld.idx.msk [tilespmem:v27+s11+$0x0], $0xffff  }
0x2a9: {  	v38 =	vand.u32 $0x400, v42;
	v20 =	vor.u32 $0xFFFFFF00, v62;
	v27 =	vadd.s32 v19, v26;
	v32 =	vld.idx.msk [tilespmem:v30+s11+$0x0], $0xffff;
	[tilespmem:v56+s15+$0x0] =	vst.idx.msk $0xffff, v34  }
0x2aa: {  	v22 =	vor.u32 v6, v25;
	v28 =	vor.u32 v5, v25;
	v29 =	vld.idx.msk [tilespmem:v29+s11+$0x0], $0xffff;
	[tilespmem:v58+s15+$0x0] =	vst.idx.msk $0xffff, v57  }
0x2ab: {  	v25 =	vadd.s32 v16, v26;
	v34 =	vor.u32 v4, v12;
	v30 =	vld.idx.msk [tilespmem:v31+s11+$0x0], $0xffff;
	v31 =	vadd.s32 v19, v9  }
0x2ac: {  	v35 =	vor.u32 v4, v11;
	v37 =	vadd.s32 v17, v20;
	[tilespmem:v60+s15+$0x0] =	vst.idx.msk $0xffff, v59;
	v31 =	vand.u32 $0xFFFFFF80, v31  }
0x2ad: {  	s23 =	simm.s32 $0x8;
	v36 =	vand.u32 $0x7F, v62;
	s24 =	simm.s32 $0x7;
	s21 =	sadd.s32 $0xC0, s21;
	v26 =	vadd.s32 v15, v20;
	[tilespmem:v63+s15+$0x0] =	vst.idx.msk $0xffff, v61;
	v31 =	vor.u32 v13, v31  }
.LBB2_13:
0x2ae: {  	p0 =	slt.u32 s23, $0xFC;
	s25 =	sadd.s32 $0x1, s22;
	v36 =	vor.u32 v36, v38;
	v38 =	vadd.s32 s24, v0;
	v39 =	vld.idx.msk [tilespmem:v27+s11+$0x0], $0xffff;
	v40 =	vor.u32 v5, v7;
	v27 =	vmovc v21;
	s22 =	smov.u32 s23  }
0x2af: {  	v21 =	vadd.s32 s25, v0;
	v41 =	vor.u32 v1, v36;
	v42 =	vor.u32 $0xFFFFFF00, v38;
	[tilespmem:v28+s15+$0x0] =	vst.idx.msk $0xffff, v32  }
0x2b0: {  	v28 =	vor.u32 $0xFFFFFF00, v21;
	v32 =	vshll.u32 v21, $0x3;
	v43 =	vadd.s32 v17, v42;
	[tilespmem:v34+s15+$0x0] =	vst.idx.msk $0xffff, v29  }
0x2b1: {  	v29 =	vadd.s32 v17, v28;
	v34 =	vand.u32 $0xFFFFFF80, v43;
	v43 =	vand.u32 $0x7F, v38;
	v33 =	vld.idx.msk [tilespmem:v33+s11+$0x0], $0xffff;
	[tilespmem:v35+s15+$0x0] =	vst.idx.msk $0xffff, v30  }
0x2b2: {  	v45 =	vadd.s32 v16, v9;
	v30 =	vor.u32 v43, v34;
	v34 =	vor.u32 v5, v12;
	v31 =	vld.idx.msk [tilespmem:v31+s11+$0x0], $0xffff  }
0x2b3: {  	v44 =	vor.u32 v5, v11;
	v9 =	vmovc v42;
	v35 =	vld.idx.msk [tilespmem:v37+s11+$0x0], $0xffff;
	v37 =	vadd.s32 v16, v8;
	v8 =	vand.u32 $0xFFFFFF80, v45  }
0x2b4: {  	v21 =	vand.u32 $0x7F, v21;
	v32 =	vand.u32 $0x400, v32;
	v24 =	vld.idx.msk [tilespmem:v24+s11+$0x0], $0xffff;
	[tilespmem:v40+s15+$0x0] =	vst.idx.msk $0xffff, v39;
	v13 =	vor.u32 v13, v8  }
0x2b5: {  	v32 =	vor.u32 v21, v32;
	v40 =	vshll.u32 v38, $0x3;
	v21 =	vld.idx.msk [tilespmem:v25+s11+$0x0], $0xffff;
	v25 =	vor.u32 v6, v7;
	v7 =	vmovc v36  }
0x2b6: {  	v38 =	vadd.s32 v15, v28;
	v36 =	vor.u32 v1, v32;
	v39 =	vand.u32 $0x400, v40;
	v29 =	vld.idx.msk [tilespmem:v29+s11+$0x0], $0xffff;
	v8 =	vmovc v28  }
0x2b7: {  	v28 =	vld.idx.msk [tilespmem:v30+s11+$0x0], $0xffff;
	v30 =	vor.u32 v43, v39;
	v39 =	vadd.s32 v15, v9;
	[tilespmem:v34+s15+$0x0] =	vst.idx.msk $0xffff, v33  }
0x2b8: {  	v33 =	vadd.s32 s23, v0;
	v34 =	vor.u32 v1, v30;
	v39 =	vand.u32 $0xFFFFFF80, v39;
	v37 =	vld.idx.msk [tilespmem:v37+s11+$0x0], $0xffff;
	[tilespmem:v44+s15+$0x0] =	vst.idx.msk $0xffff, v31  }
0x2b9: {  	v12 =	vor.u32 v6, v12;
	[tilespmem:v41+s15+$0x0] =	vst.idx.msk $0xffff, v35;
	v31 =	vor.u32 v43, v39;
	v35 =	vld.idx.msk [tilespmem:v13+s11+$0x0], $0xffff  }
0x2ba: {  	v11 =	vor.u32 v6, v11;
	v39 =	vor.u32 $0xFFFFFF00, v33;
	v13 =	vmov v43;
	v26 =	vld.idx.msk [tilespmem:v26+s11+$0x0], $0xffff;
	[tilespmem:v22+s15+$0x0] =	vst.idx.msk $0xffff, v24  }
0x2bb: {  	v40 =	vor.u32 v2, v7;
	v22 =	vadd.s32 v17, v39;
	v24 =	vshll.u32 v33, $0x3;
	[tilespmem:v25+s15+$0x0] =	vst.idx.msk $0xffff, v21  }
0x2bc: {  	v25 =	vadd.s32 v18, v14;
	v23 =	vld.idx.msk [tilespmem:v23+s11+$0x0], $0xffff;
	[tilespmem:v36+s15+$0x0] =	vst.idx.msk $0xffff, v29;
	v29 =	vadd.s32 v10, v20  }
0x2bd: {  	v21 =	vand.u32 $0x7F, v33;
	v24 =	vand.u32 $0x400, v24;
	v33 =	vor.u32 v3, v27;
	v36 =	vld.idx.msk [tilespmem:v38+s11+$0x0], $0xffff;
	[tilespmem:v34+s15+$0x0] =	vst.idx.msk $0xffff, v28  }
0x2be: {  	v28 =	vor.u32 v2, v32;
	v34 =	vadd.s32 v10, v9;
	v31 =	vld.idx.msk [tilespmem:v31+s11+$0x0], $0xffff;
	[tilespmem:v12+s15+$0x0] =	vst.idx.msk $0xffff, v37  }
0x2bf: {  	v38 =	vor.u32 v2, v30;
	v37 =	vadd.s32 v10, v8;
	v34 =	vand.u32 $0xFFFFFF80, v34;
	[tilespmem:v11+s15+$0x0] =	vst.idx.msk $0xffff, v35  }
0x2c0: {  	v21 =	vor.u32 v21, v24;
	v24 =	vor.u32 v13, v34;
	v22 =	vld.idx.msk [tilespmem:v22+s11+$0x0], $0xffff;
	[tilespmem:v40+s15+$0x0] =	vst.idx.msk $0xffff, v26  }
0x2c1: {  	v12 =	vmov v32;
	v11 =	vmov v30;
	v26 =	vor.u32 v1, v21;
	v29 =	vld.idx.msk [tilespmem:v29+s11+$0x0], $0xffff  }
0x2c2: {  	v30 =	vadd.s32 v15, v39;
	[tilespmem:v33+s15+$0x0] =	vst.idx.msk $0xffff, v23;
	v23 =	vor.u32 v3, v7  }
0x2c3: {  	v25 =	vld.idx.msk [tilespmem:v25+s11+$0x0], $0xffff;
	[tilespmem:v28+s15+$0x0] =	vst.idx.msk $0xffff, v36;
	v28 =	vadd.s32 v18, v20  }
0x2c4: {  	v32 =	vor.u32 v4, v27;
	v33 =	vld.idx.msk [tilespmem:v37+s11+$0x0], $0xffff;
	[tilespmem:v38+s15+$0x0] =	vst.idx.msk $0xffff, v31  }
0x2c5: {  	v34 =	vor.u32 v3, v12;
	v31 =	vadd.s32 v19, v14;
	v35 =	vld.idx.msk [tilespmem:v24+s11+$0x0], $0xffff;
	v24 =	vadd.s32 v18, v9  }
0x2c6: {  	v37 =	vor.u32 v3, v11;
	[tilespmem:v26+s15+$0x0] =	vst.idx.msk $0xffff, v22;
	v26 =	vadd.s32 v18, v8;
	v22 =	vand.u32 $0xFFFFFF80, v24  }
0x2c7: {  	v24 =	vadd.s32 v16, v14;
	v38 =	vld.idx.msk [tilespmem:v30+s11+$0x0], $0xffff;
	[tilespmem:v23+s15+$0x0] =	vst.idx.msk $0xffff, v29;
	v30 =	vor.u32 v13, v22  }
0x2c8: {  	s24 =	sadd.s32 $0x2, s23;
	v40 =	vor.u32 v2, v21;
	v23 =	vadd.s32 v10, v39;
	v22 =	vor.u32 v6, v27;
	v41 =	vld.idx.msk [tilespmem:v28+s11+$0x0], $0xffff  }
0x2c9: {  	v42 =	vadd.s32 s24, v0;
	v43 =	vor.u32 v4, v7;
	v28 =	vor.u32 v5, v27;
	[tilespmem:v32+s15+$0x0] =	vst.idx.msk $0xffff, v25  }
.Ltmp5:
0x2ca: {  	v36 =	vand.u32 $0x7F, v42;
	v14 =	vmov v39;
	v27 =	vadd.s32 v19, v20;
	v32 =	vld.idx.msk [tilespmem:v31+s11+$0x0], $0xffff;
	[tilespmem:v34+s15+$0x0] =	vst.idx.msk $0xffff, v33;
	(pc) =	sbr.rel @p0 .LBB2_13-.Ltmp5, $4  }
0x2cb: {  	v25 =	vadd.s32 v16, v20;
	v20 =	vor.u32 $0xFFFFFF00, v42;
	v31 =	vshll.u32 v42, $0x3;
	v29 =	vld.idx.msk [tilespmem:v26+s11+$0x0], $0xffff;
	[tilespmem:v37+s15+$0x0] =	vst.idx.msk $0xffff, v35  }
0x2cc: {  	v34 =	vor.u32 v4, v12;
	v26 =	vadd.s32 v15, v20;
	v37 =	vadd.s32 v19, v9;
	v30 =	vld.idx.msk [tilespmem:v30+s11+$0x0], $0xffff  }
0x2cd: {  	v33 =	vadd.s32 v19, v8;
	v35 =	vor.u32 v4, v11;
	v39 =	vand.u32 $0xFFFFFF80, v37;
	[tilespmem:v40+s15+$0x0] =	vst.idx.msk $0xffff, v38  }
0x2ce: {  	s24 =	sadd.s32 $0x3, s22;
	s23 =	sadd.s32 $0x4, s23;
	v37 =	vadd.s32 v17, v20;
	v38 =	vand.u32 $0x400, v31;
	v31 =	vor.u32 v13, v39;
	[tilespmem:v43+s15+$0x0] =	vst.idx.msk $0xffff, v41  }
0x2cf: {  	s22 =	sadd.s32 $0x1, s22;
	v39 =	vadd.s32 s24, v0  }
0x2d0: {  	v40 =	vadd.s32 s22, v0;
	v41 =	vor.u32 $0xFFFFFF00, v39  }
0x2d1: {  	v42 =	vor.u32 $0xFFFFFF00, v40;
	v43 =	vadd.s32 v17, v41  }
0x2d2: {  	v44 =	vand.u32 $0x7F, v39;
	v53 =	vadd.s32 v17, v42;
	v43 =	vand.u32 $0xFFFFFF80, v43  }
0x2d3: {  	v54 =	vor.u32 v44, v43  }
0x2d4: {  	v36 =	vor.u32 v36, v38;
	v45 =	vshll.u32 v40, $0x3  }
0x2d5: {  	[tilespmem:v28+s15+$0x0] =	vst.idx.msk $0xffff, v32;
	v39 =	vshll.u32 v39, $0x3;
	v40 =	vand.u32 $0x7F, v40;
	v45 =	vand.u32 $0x400, v45  }
0x2d6: {  	v56 =	vld.idx.msk [tilespmem:v37+s11+$0x0], $0xffff;
	v55 =	vor.u32 v1, v36;
	v57 =	vand.u32 $0x400, v39;
	v32 =	vor.u32 v40, v45  }
0x2d7: {  	v59 =	vadd.s32 v15, v41;
	v37 =	vor.u32 v44, v57;
	v58 =	vor.u32 v1, v32;
	v17 =	vld.idx.msk [tilespmem:v53+s11+$0x0], $0xffff  }
0x2d8: {  	v60 =	vadd.s32 v15, v42;
	v61 =	vor.u32 v1, v37;
	v40 =	vand.u32 $0xFFFFFF80, v59;
	v38 =	vld.idx.msk [tilespmem:v54+s11+$0x0], $0xffff  }
0x2d9: {  	v62 =	vor.u32 v44, v40  }
0x2da: {  	[tilespmem:v34+s15+$0x0] =	vst.idx.msk $0xffff, v29  }
0x2db: {  	v27 =	vld.idx.msk [tilespmem:v27+s11+$0x0], $0xffff;
	v63 =	vor.u32 v5, v7;
	[tilespmem:v55+s15+$0x0] =	vst.idx.msk $0xffff, v56  }
0x2dc: {  	v48 =	vadd.s32 v10, v20;
	v47 =	vor.u32 v2, v36;
	v26 =	vld.idx.msk [tilespmem:v26+s11+$0x0], $0xffff;
	[tilespmem:v58+s15+$0x0] =	vst.idx.msk $0xffff, v17  }
0x2dd: {  	v50 =	vadd.s32 v10, v41;
	v49 =	vor.u32 v2, v32;
	v15 =	vld.idx.msk [tilespmem:v60+s11+$0x0], $0xffff;
	[tilespmem:v61+s15+$0x0] =	vst.idx.msk $0xffff, v38  }
0x2de: {  	v51 =	vadd.s32 v10, v42;
	v52 =	vor.u32 v2, v37;
	v38 =	vand.u32 $0xFFFFFF80, v50;
	v29 =	vld.idx.msk [tilespmem:v62+s11+$0x0], $0xffff  }
0x2df: {  	v24 =	vld.idx.msk [tilespmem:v24+s11+$0x0], $0xffff;
	[tilespmem:v35+s15+$0x0] =	vst.idx.msk $0xffff, v30;
	v53 =	vor.u32 v44, v38  }
0x2e0: {  	v46 =	vor.u32 v5, v12;
	v33 =	vld.idx.msk [tilespmem:v33+s11+$0x0], $0xffff;
	v57 =	vor.u32 v3, v21;
	[tilespmem:v63+s15+$0x0] =	vst.idx.msk $0xffff, v27  }
0x2e1: {  	v23 =	vld.idx.msk [tilespmem:v23+s11+$0x0], $0xffff;
	v59 =	vadd.s32 v18, v20;
	v63 =	vor.u32 v3, v37;
	[tilespmem:v47+s15+$0x0] =	vst.idx.msk $0xffff, v26  }
0x2e2: {  	v56 =	vadd.s32 v18, v14;
	v17 =	vld.idx.msk [tilespmem:v48+s11+$0x0], $0xffff;
	v58 =	vor.u32 v3, v36;
	[tilespmem:v49+s15+$0x0] =	vst.idx.msk $0xffff, v15  }
0x2e3: {  	v60 =	vor.u32 v3, v32;
	v61 =	vadd.s32 v18, v41;
	v10 =	vld.idx.msk [tilespmem:v51+s11+$0x0], $0xffff;
	[tilespmem:v52+s15+$0x0] =	vst.idx.msk $0xffff, v29  }
0x2e4: {  	[tilespmem:v22+s15+$0x0] =	vst.idx.msk $0xffff, v24;
	v62 =	vadd.s32 v18, v42;
	v29 =	vand.u32 $0xFFFFFF80, v61;
	v27 =	vld.idx.msk [tilespmem:v53+s11+$0x0], $0xffff  }
0x2e5: {  	[tilespmem:v46+s15+$0x0] =	vst.idx.msk $0xffff, v33;
	v29 =	vor.u32 v44, v29  }
0x2e6: {  	v9 =	vadd.s32 v16, v9;
	v55 =	vor.u32 v5, v11;
	[tilespmem:v57+s15+$0x0] =	vst.idx.msk $0xffff, v23;
	v54 =	vld.idx.msk [tilespmem:v31+s11+$0x0], $0xffff  }
0x2e7: {  	v34 =	vadd.s32 v19, v14;
	v33 =	vor.u32 v4, v21;
	v23 =	vld.idx.msk [tilespmem:v56+s11+$0x0], $0xffff;
	[tilespmem:v58+s15+$0x0] =	vst.idx.msk $0xffff, v17  }
0x2e8: {  	v39 =	vadd.s32 v19, v20;
	v38 =	vor.u32 v4, v36;
	v15 =	vld.idx.msk [tilespmem:v59+s11+$0x0], $0xffff;
	[tilespmem:v60+s15+$0x0] =	vst.idx.msk $0xffff, v10  }
0x2e9: {  	v43 =	vadd.s32 v19, v41;
	v40 =	vor.u32 v4, v32;
	v18 =	vld.idx.msk [tilespmem:v62+s11+$0x0], $0xffff;
	[tilespmem:v63+s15+$0x0] =	vst.idx.msk $0xffff, v27  }
0x2ea: {  	v46 =	vadd.s32 v19, v42;
	v47 =	vor.u32 v4, v37;
	v27 =	vand.u32 $0xFFFFFF80, v43;
	v45 =	vld.idx.msk [tilespmem:v29+s11+$0x0], $0xffff  }
0x2eb: {  	v8 =	vadd.s32 v16, v8;
	v9 =	vand.u32 $0xFFFFFF80, v9;
	[tilespmem:v55+s15+$0x0] =	vst.idx.msk $0xffff, v54;
	v48 =	vor.u32 v44, v27  }
0x2ec: {  	v7 =	vor.u32 v6, v7;
	v9 =	vor.u32 v13, v9;
	[tilespmem:v33+s15+$0x0] =	vst.idx.msk $0xffff, v23;
	v49 =	vld.idx.msk [tilespmem:v25+s11+$0x0], $0xffff  }
0x2ed: {  	v56 =	vadd.s32 v16, v41;
	v51 =	vor.u32 v5, v21;
	v52 =	vld.idx.msk [tilespmem:v34+s11+$0x0], $0xffff;
	[tilespmem:v38+s15+$0x0] =	vst.idx.msk $0xffff, v15  }
0x2ee: {  	v50 =	vadd.s32 v16, v14;
	v54 =	vor.u32 v5, v36;
	v10 =	vld.idx.msk [tilespmem:v39+s11+$0x0], $0xffff;
	[tilespmem:v40+s15+$0x0] =	vst.idx.msk $0xffff, v18  }
0x2ef: {  	v55 =	vor.u32 v5, v32;
	v53 =	vadd.s32 v16, v20;
	v18 =	vld.idx.msk [tilespmem:v46+s11+$0x0], $0xffff;
	[tilespmem:v47+s15+$0x0] =	vst.idx.msk $0xffff, v45  }
0x2f0: {  	v57 =	vadd.s32 v16, v42;
	v58 =	vor.u32 v5, v37;
	v20 =	vand.u32 $0xFFFFFF80, v56;
	v22 =	vld.idx.msk [tilespmem:v48+s11+$0x0], $0xffff  }
0x2f1: {  	v8 =	vld.idx.msk [tilespmem:v8+s11+$0x0], $0xffff;
	v59 =	vor.u32 v6, v12;
	[tilespmem:v7+s15+$0x0] =	vst.idx.msk $0xffff, v49;
	v7 =	vor.u32 v44, v20  }
0x2f2: {  	v9 =	vld.idx.msk [tilespmem:v9+s11+$0x0], $0xffff;
	v60 =	vor.u32 v6, v11;
	[tilespmem:v51+s15+$0x0] =	vst.idx.msk $0xffff, v52  }
0x2f3: {  	v61 =	vor.u32 v6, v21;
	v14 =	vld.idx.msk [tilespmem:v50+s11+$0x0], $0xffff;
	[tilespmem:v54+s15+$0x0] =	vst.idx.msk $0xffff, v10  }
0x2f4: {  	v62 =	vor.u32 v6, v36;
	v10 =	vld.idx.msk [tilespmem:v53+s11+$0x0], $0xffff;
	[tilespmem:v55+s15+$0x0] =	vst.idx.msk $0xffff, v18  }
0x2f5: {  	v63 =	vor.u32 v6, v32;
	v16 =	vld.idx.msk [tilespmem:v57+s11+$0x0], $0xffff;
	[tilespmem:v58+s15+$0x0] =	vst.idx.msk $0xffff, v22  }
0x2f6: {  	s20 =	sadd.s32 $0x1, s20;
	[tilespmem:v59+s15+$0x0] =	vst.idx.msk $0xffff, v8;
	v8 =	vor.u32 v6, v37;
	v7 =	vld.idx.msk [tilespmem:v7+s11+$0x0], $0xffff  }
0x2f7: {  	p0 =	sne.s32 s20, $0xB;
	[tilespmem:v60+s15+$0x0] =	vst.idx.msk $0xffff, v9  }
.Ltmp6:
0x2f8: {  	[tilespmem:v61+s15+$0x0] =	vst.idx.msk $0xffff, v14;
	(pc) =	sbr.rel @p0 .LBB2_8-.Ltmp6, $4  }
0x2f9: {  	s21 =	sadd.s32 s5, s21;
	[tilespmem:v62+s15+$0x0] =	vst.idx.msk $0xffff, v10  }
0x2fa: {  	s21 =	sshll.u32 s21, $0x5;
	[tilespmem:v63+s15+$0x0] =	vst.idx.msk $0xffff, v16  }
0x2fb: {  	s21 =	sadd.s32 s3, s21;
	[tilespmem:v8+s15+$0x0] =	vst.idx.msk $0xffff, v7  }
0x2fc: {  	[hbm4b:s21+s4] =	stream.linear.scatter [tilespmem:s15], [sflag:$0x3], $0x6000, $0x38;
	[tilespmem:$0x1A480] =	vst v63  }
0x2fd: {  	_ =	swait.ge [sflag:s16], $0x6000  }
0x2fe: {  	[sflag:s16] =	ssyncset.done $0x0  }
0x2ff: {  	s19 =	sadd.s32 $0x1, s19;
	[sflag:s16] =	ssyncadd.s32 $0xFFFFA000  }
0x300: {  	p0 =	sne.s32 s19, s10;
	_ =	swait.ge [sflag:s17], $0x6000  }
.Ltmp7:
0x301: {  	[sflag:s17] =	ssyncset.done $0x0;
	(pc) =	sbr.rel @p0 .LBB2_1-.Ltmp7, $4  }
0x302: {  	[sflag:s17] =	ssyncadd.s32 $0xFFFFA000  }
0x303: {  	_ =	swait.ge [sflag:s18], $0x6000  }
0x304: {  	[sflag:s18] =	ssyncset.done $0x0  }
0x305: {  	[sflag:s18] =	ssyncadd.s32 $0xFFFFA000  }
0x306: {  	_ =	sfence.sel $0x180000  }
0x307: {  	[bflag:$0x0] =	sbarrier.arrive $0xFFFF  }
0x308: {  	p0 =	sne.s32 s0, $0x0;
	_ =	strace $0x90000047  }
0x309: {  	s0 =	sadd.s32 @!p0 $0x100000, s2;
	[bflag:$0x2] =	sbarrier.arrive $0xFFFF  }
0x30a: {  	[sflag:s0] =	ssyncadd.tile.s32 @!p0 $0x1;
	_ =	shalt  }
.Lfunc_end2:
_tile_overlayer_lowered:
.L_overlay_start_2:
0x30b: {  	(tag) =	ssettag $0x2  }
0x30c: {  	s0 =	rddreg [dreg:$0x0];
	s2 =	stileid.u32  }
0x30d: {  	s1 =	rddreg [dreg:$0x1];
	p0 =	sne.s32 s2, $0x0  }
0x30e: {  	s3 =	rddreg [dreg:$0x2];
	[bflag:$0x3] =	sbarrier.arrive $0xFFFF;
	s2 =	simm.s32 @!p0 $0x1C04  }
0x30f: {  	[timem:s3], [sflag:s2] =	dma.local @!p0 [hbm:s0], s1  }
0x310: {  	s0 =	simm.s32 @!p0 $0x4  }
0x311: {  	_ =	swait.ge @!p0 [sflag:s0], s1  }
0x312: {  	s1 =	ssub.s32 @!p0 $0x0, s1;
	[sflag:s0] =	ssyncset.done @!p0 $0x0  }
0x313: {  	[sflag:s0] =	ssyncadd.s32 @!p0 s1  }
0x314: {  	[bflag:$0x3] =	sbarrier.arrive $0xFFFF  }
0x315: {  	_ =	shalt  }

</sc_bundles>
